<compile_context>
chip_gen: v7x
topology: tpu7x:2x2x1
jax: 0.10.2.dev20260603
libtpu: 0.0.44.dev20260713+nightly
codegen_flags: <defaults>
</compile_context>

<pallas_src>
import functools

import jax
import jax.numpy as jnp
from jax import lax
from jax.experimental import pallas as pl
from jax.experimental.pallas import tpu as pltpu
from jax.experimental.pallas import tpu_sc as plsc

D_MODEL = 256
T_ROWS = 256
NUM_CORES = 2
NUM_SUBCORES = 16
NUM_WORKERS = NUM_CORES * NUM_SUBCORES
NBUF = 2
KB = 4
SEQ_STRIDE = 64
GP = 56


def _prep_kernel(card_ref, stg_ref, rank_ref, suit_ref, stage_ref,
                 t_ref, idx_ref):
    rows = lax.broadcasted_iota(jnp.int32, (T_ROWS, 1), 0)
    card = rows // 4
    stg = rows % 4
    rank = card % 13
    suit = card // 13
    valid = card < 52
    acc = jnp.zeros((T_ROWS, D_MODEL), jnp.float32)
    for k in range(13):
        acc += jnp.where(rank == k, 1.0, 0.0) * rank_ref[k, :][None, :]
    for k in range(4):
        acc += jnp.where(suit == k, 1.0, 0.0) * suit_ref[k, :][None, :]
        acc += jnp.where(stg == k, 1.0, 0.0) * stage_ref[k, :][None, :]
    t_ref[...] = jnp.where(valid, acc, 0.0)

    c = card_ref[...]
    s = stg_ref[...]
    cvalid = (c >= 0) & (c < 52)
    cc = jnp.where(cvalid, c, 52)
    ss = jnp.clip(s, 0, 3)
    idx_ref[...] = cc * 4 + ss


def _prep(card_indices, stages, rank_emb, suit_emb, stage_emb):
    batch, seq = card_indices.shape
    return pl.pallas_call(
        _prep_kernel,
        out_shape=(
            jax.ShapeDtypeStruct((T_ROWS, D_MODEL), jnp.float32),
            jax.ShapeDtypeStruct((batch, seq), jnp.int32),
        ),
    )(card_indices, stages, rank_emb, suit_emb, stage_emb)


def _make_sc_gather(batch, seq):
    n_chunks = batch // KB
    assert batch % (NUM_WORKERS * NBUF * KB) == 0
    chunks_per_worker = n_chunks // NUM_WORKERS
    cw = KB * SEQ_STRIDE
    mesh = plsc.VectorSubcoreMesh(core_axis_name="c", subcore_axis_name="s")

    scratch = []
    for _ in range(NBUF):
        scratch += [
            pltpu.VMEM((cw,), jnp.int32),
            pltpu.VMEM((KB, GP, D_MODEL), jnp.float32),
            pltpu.SemaphoreType.DMA,
            pltpu.SemaphoreType.DMA,
            pltpu.SemaphoreType.DMA,
        ]

    @functools.partial(
        pl.kernel,
        out_type=jax.ShapeDtypeStruct((batch, GP, D_MODEL), jnp.float32),
        mesh=mesh,
        scratch_types=scratch,
    )
    def sc_gather(idx_hbm, t_hbm, out_hbm, *bufs):
        idx_v = [bufs[5 * b + 0] for b in range(NBUF)]
        rows_v = [bufs[5 * b + 1] for b in range(NBUF)]
        isem = [bufs[5 * b + 2] for b in range(NBUF)]
        gsem = [bufs[5 * b + 3] for b in range(NBUF)]
        osem = [bufs[5 * b + 4] for b in range(NBUF)]
        wid = lax.axis_index("s") * NUM_CORES + lax.axis_index("c")
        chunk0 = wid * chunks_per_worker

        for b in range(NBUF):
            pltpu.async_copy(idx_hbm.at[chunk0 + b], idx_v[b], isem[b])

        def group(g, carry):
            for b in range(NBUF):
                r = g * NBUF + b
                pltpu.make_async_copy(
                    idx_hbm.at[chunk0], idx_v[b], isem[b]).wait()

                @pl.when(r >= NBUF)
                def _rows_free():
                    pltpu.make_async_copy(
                        rows_v[b], out_hbm.at[pl.ds(0, KB)], osem[b]).wait()

                for j in range(KB):
                    pltpu.async_copy(
                        t_hbm.at[idx_v[b].at[pl.ds(j * SEQ_STRIDE, GP)]],
                        rows_v[b].at[j], gsem[b])
                for j in range(KB):
                    pltpu.make_async_copy(
                        t_hbm.at[idx_v[b].at[pl.ds(0, GP)]],
                        rows_v[b].at[0], gsem[b]).wait()

                @pl.when(r + NBUF < chunks_per_worker)
                def _next_idx():
                    pltpu.async_copy(
                        idx_hbm.at[chunk0 + r + NBUF], idx_v[b], isem[b])

                pltpu.async_copy(
                    rows_v[b],
                    out_hbm.at[pl.ds((chunk0 + r) * KB, KB)], osem[b])
            return carry

        lax.fori_loop(0, chunks_per_worker // NBUF, group, 0)
        for b in range(NBUF):
            pltpu.make_async_copy(
                rows_v[b], out_hbm.at[pl.ds(0, KB)], osem[b]).wait()

    return sc_gather


def kernel(card_indices, stages, rank_emb, suit_emb, stage_emb):
    batch, seq = card_indices.shape
    table, idx = _prep(card_indices.astype(jnp.int32),
                       stages.astype(jnp.int32),
                       rank_emb, suit_emb, stage_emb)
    idx_p = jnp.pad(idx, ((0, 0), (0, SEQ_STRIDE - seq)))
    idx_c = idx_p.reshape(batch // KB, KB * SEQ_STRIDE)
    out = _make_sc_gather(batch, seq)(idx_c, table)
    return out[:, :seq, :]

# --- scband reference (transcript-rebuilt; emitter-appended) ---
"""Pipeline reference for scband-card-embedding-62835371540762 (READ-ONLY COPY).

The authoritative reference and input builder live on the scoring server;
editing this copy changes nothing except your own understanding.
"""

import jax, jax.numpy as jnp
import numpy as np

D_MODEL = 256
BATCH = 16384
SEQ = 50

def setup_inputs(seed: int = 0) -> dict:
    key = jax.random.key(seed)
    k1, k2, k3, k4, k5 = jax.random.split(key, 5)
    card_indices = jax.random.randint(k1, (BATCH, SEQ), 0, 53, dtype=jnp.int64 if jax.config.jax_enable_x64 else jnp.int32)
    stages = jax.random.randint(k2, (BATCH, SEQ), 0, 4, dtype=jnp.int64 if jax.config.jax_enable_x64 else jnp.int32)
    rank_emb = jax.random.normal(k3, (13, D_MODEL), dtype=jnp.float32)
    suit_emb = jax.random.normal(k4, (4, D_MODEL), dtype=jnp.float32)
    stage_emb = jax.random.normal(k5, (4, D_MODEL), dtype=jnp.float32)
    return {
        'card_indices': card_indices,
        'stages': stages,
        'rank_emb': rank_emb,
        'suit_emb': suit_emb,
        'stage_emb': stage_emb,
    }

def reference(card_indices, stages, rank_emb, suit_emb, stage_emb):
    # valid cards: 0..51; 52 is CLS -> zero embedding; anything else -> zero
    valid_card_mask = (card_indices >= 0) & (card_indices < 52)
    # clamp indices for safe gather; invalid positions masked out afterwards
    safe_cards = jnp.clip(card_indices, 0, 51)
    safe_stages = jnp.clip(stages, 0, 3)
    ranks = safe_cards % 13
    suits = safe_cards // 13
    emb = (jnp.take(rank_emb, ranks, axis=0)
           + jnp.take(suit_emb, suits, axis=0)
           + jnp.take(stage_emb, safe_stages, axis=0))
    embeddings = jnp.where(valid_card_mask[..., None], emb, 0.0)
    return embeddings

if False:  # reference __main__ guard neutralized (emitter)
    out = reference(**setup_inputs())
    print(out.shape, out.dtype)

if __name__ == "__main__":
    import jax
    _d = setup_inputs()
    print(jax.jit(kernel)(*tuple(_d.values())))

</pallas_src>

<mosaic_0001>
#map = affine_map<(d0, d1) -> (0, 0)>
#map1 = affine_map<(d0, d1) -> (0, 0, 0)>
module attributes {stable_mosaic.version = 14 : i64} {
  func.func @sc_gather(%arg0: i32, %arg1: i32, %arg2: memref<4096x256xi32, #tpu.memory_space<hbm>>, %arg3: memref<256x256xf32, #tpu.memory_space<hbm>>, %arg4: memref<16384x56x256xf32, #tpu.memory_space<hbm>>, %arg5: memref<256xi32, #tpu.memory_space<vmem>>, %arg6: memref<4x56x256xf32, #tpu.memory_space<vmem>>, %arg7: memref<!tpu.dma_semaphore, #tpu.memory_space<semaphore_mem>>, %arg8: memref<!tpu.dma_semaphore, #tpu.memory_space<semaphore_mem>>, %arg9: memref<!tpu.dma_semaphore, #tpu.memory_space<semaphore_mem>>, %arg10: memref<256xi32, #tpu.memory_space<vmem>>, %arg11: memref<4x56x256xf32, #tpu.memory_space<vmem>>, %arg12: memref<!tpu.dma_semaphore, #tpu.memory_space<semaphore_mem>>, %arg13: memref<!tpu.dma_semaphore, #tpu.memory_space<semaphore_mem>>, %arg14: memref<!tpu.dma_semaphore, #tpu.memory_space<semaphore_mem>>) attributes {dimension_semantics = [#tpu.dimension_semantics<core_parallel>, #tpu.dimension_semantics<subcore_parallel>], iteration_bounds = array<i64: 2, 16>, scalar_prefetch = 0 : i64, scratch_operands = 10 : i64, tpu.core_type = #tpu.core_type<sc_vector_subcore>, window_params = [{transform_indices = #map}, {transform_indices = #map}, {transform_indices = #map1}]} {
    %mul3A = arith.constant 2 : i32
    %mul3A_0 = arith.muli %arg1, %mul3A : i32
    %add3A = arith.addi %mul3A_0, %arg0 : i32
    %mul3A_1 = arith.constant 128 : i32
    %mul3A_2 = arith.muli %add3A, %mul3A_1 : i32
    %add3A_3 = arith.constant 0 : i32
    %add3A_4 = arith.addi %mul3A_2, %add3A_3 : i32
    %dma_start3A = arith.constant 0 : i32
    %dma_start3A_5 = tpu.memref_slice %arg2[%add3A_4, %dma_start3A] : memref<4096x256xi32, #tpu.memory_space<hbm>> -> memref<1x256xi32, #tpu.memory_space<hbm>>
    %dma_start3A_6 = tpu.memref_squeeze %dma_start3A_5 : memref<1x256xi32, #tpu.memory_space<hbm>> -> memref<256xi32, #tpu.memory_space<hbm>>
    %dma_start3A_7 = arith.constant 0 : i32
    %dma_start3A_8 = tpu.memref_slice %arg2[%add3A_4, %dma_start3A_7] : memref<4096x256xi32, #tpu.memory_space<hbm>> -> memref<1x256xi32, #tpu.memory_space<hbm>>
    %dma_start3A_9 = tpu.memref_squeeze %dma_start3A_8 : memref<1x256xi32, #tpu.memory_space<hbm>> -> memref<256xi32, #tpu.memory_space<hbm>>
    tpu.enqueue_dma source(%dma_start3A_9 : memref<256xi32, #tpu.memory_space<hbm>>) target(%arg5 : memref<256xi32, #tpu.memory_space<vmem>>) target_semaphore(%arg7 : memref<!tpu.dma_semaphore, #tpu.memory_space<semaphore_mem>>)
    %add3A_10 = arith.constant 1 : i32
    %add3A_11 = arith.addi %mul3A_2, %add3A_10 : i32
    %dma_start3A_12 = arith.constant 0 : i32
    %dma_start3A_13 = tpu.memref_slice %arg2[%add3A_11, %dma_start3A_12] : memref<4096x256xi32, #tpu.memory_space<hbm>> -> memref<1x256xi32, #tpu.memory_space<hbm>>
    %dma_start3A_14 = tpu.memref_squeeze %dma_start3A_13 : memref<1x256xi32, #tpu.memory_space<hbm>> -> memref<256xi32, #tpu.memory_space<hbm>>
    %dma_start3A_15 = arith.constant 0 : i32
    %dma_start3A_16 = tpu.memref_slice %arg2[%add3A_11, %dma_start3A_15] : memref<4096x256xi32, #tpu.memory_space<hbm>> -> memref<1x256xi32, #tpu.memory_space<hbm>>
    %dma_start3A_17 = tpu.memref_squeeze %dma_start3A_16 : memref<1x256xi32, #tpu.memory_space<hbm>> -> memref<256xi32, #tpu.memory_space<hbm>>
    tpu.enqueue_dma source(%dma_start3A_17 : memref<256xi32, #tpu.memory_space<hbm>>) target(%arg10 : memref<256xi32, #tpu.memory_space<vmem>>) target_semaphore(%arg12 : memref<!tpu.dma_semaphore, #tpu.memory_space<semaphore_mem>>)
    %scan3A = arith.constant 0 : i32
    %scan3A_18 = arith.constant 0 : i32
    %scan3A_19 = arith.constant 64 : i32
    %scan3A_20 = arith.addi %scan3A_18, %scan3A_19 : i32
    %scan3A_21 = arith.constant 1 : i32
    scf.for %scan3A_38 = %scan3A_18 to %scan3A_20 step %scan3A_21  : i32 {
      %mul3A_39 = arith.constant 2 : i32
      %mul3A_40 = arith.muli %scan3A_38, %mul3A_39 : i32
      %add3A_41 = arith.constant 0 : i32
      %add3A_42 = arith.addi %mul3A_40, %add3A_41 : i32
      %dma_wait3A_43 = arith.constant 0 : i32
      %dma_wait3A_44 = tpu.memref_slice %arg2[%mul3A_2, %dma_wait3A_43] : memref<4096x256xi32, #tpu.memory_space<hbm>> -> memref<1x256xi32, #tpu.memory_space<hbm>>
      %dma_wait3A_45 = tpu.memref_squeeze %dma_wait3A_44 : memref<1x256xi32, #tpu.memory_space<hbm>> -> memref<256xi32, #tpu.memory_space<hbm>>
      %dma_wait3A_46 = arith.constant 0 : i32
      %dma_wait3A_47 = tpu.memref_slice %arg2[%mul3A_2, %dma_wait3A_46] : memref<4096x256xi32, #tpu.memory_space<hbm>> -> memref<1x256xi32, #tpu.memory_space<hbm>>
      %dma_wait3A_48 = tpu.memref_squeeze %dma_wait3A_47 : memref<1x256xi32, #tpu.memory_space<hbm>> -> memref<256xi32, #tpu.memory_space<hbm>>
      tpu.wait_dma2 semaphore(%arg7 : memref<!tpu.dma_semaphore, #tpu.memory_space<semaphore_mem>>) src(%dma_wait3A_48 : memref<256xi32, #tpu.memory_space<hbm>>) dst(%arg5 : memref<256xi32, #tpu.memory_space<vmem>>)
      %ge3A = arith.constant 2 : i32
      %ge3A_49 = arith.cmpi sge, %add3A_42, %ge3A : i32
      %convert_element_type3A = arith.extui %ge3A_49 : i1 to i32
      %cond3A = arith.constant 0 : i32
      %cond3A_50 = arith.cmpi ne, %convert_element_type3A, %cond3A : i32
      scf.if %cond3A_50 {
        %dma_wait3A_257 = arith.constant 0 : i32
        %dma_wait3A_258 = arith.constant 0 : i32
        %dma_wait3A_259 = arith.constant 0 : i32
        %dma_wait3A_260 = tpu.memref_slice %arg4[%dma_wait3A_257, %dma_wait3A_258, %dma_wait3A_259] : memref<16384x56x256xf32, #tpu.memory_space<hbm>> -> memref<4x56x256xf32, #tpu.memory_space<hbm>>
        %dma_wait3A_261 = arith.constant 0 : i32
        %dma_wait3A_262 = arith.constant 0 : i32
        %dma_wait3A_263 = arith.constant 0 : i32
        %dma_wait3A_264 = tpu.memref_slice %arg4[%dma_wait3A_261, %dma_wait3A_262, %dma_wait3A_263] : memref<16384x56x256xf32, #tpu.memory_space<hbm>> -> memref<4x56x256xf32, #tpu.memory_space<hbm>>
        tpu.wait_dma2 semaphore(%arg9 : memref<!tpu.dma_semaphore, #tpu.memory_space<semaphore_mem>>) src(%arg6 : memref<4x56x256xf32, #tpu.memory_space<vmem>>) dst(%dma_wait3A_264 : memref<4x56x256xf32, #tpu.memory_space<hbm>>)
      } else {
      }
      %dma_start3A_51 = arith.constant 0 : i32
      %dma_start3A_52 = arith.constant 0 : i32
      %dma_start3A_53 = arith.constant 0 : i32
      %dma_start3A_54 = tpu.memref_slice %arg6[%dma_start3A_51, %dma_start3A_52, %dma_start3A_53] : memref<4x56x256xf32, #tpu.memory_space<vmem>> -> memref<1x56x256xf32, #tpu.memory_space<vmem>>
      %dma_start3A_55 = tpu.memref_squeeze %dma_start3A_54 : memref<1x56x256xf32, #tpu.memory_space<vmem>> -> memref<56x256xf32, #tpu.memory_space<vmem>>
      %dma_start3A_56 = arith.constant 0 : i32
      %dma_start3A_57 = tpu.memref_slice %arg5[%dma_start3A_56] : memref<256xi32, #tpu.memory_space<vmem>> -> memref<56xi32, #tpu.memory_space<vmem>>
      %dma_start3A_58 = arith.constant 0 : i32
      %dma_start3A_59 = arith.constant 0 : i32
      %dma_start3A_60 = tpu.memref_slice %arg3[%dma_start3A_58, %dma_start3A_59] : memref<256x256xf32, #tpu.memory_space<hbm>> -> memref<256x256xf32, #tpu.memory_space<hbm>>
      tpu.enqueue_indirect_dma source(%dma_start3A_60 : memref<256x256xf32, #tpu.memory_space<hbm>>) target(%dma_start3A_55 : memref<56x256xf32, #tpu.memory_space<vmem>>) offsets(%dma_start3A_57 : memref<56xi32, #tpu.memory_space<vmem>>) semaphore(%arg8 : memref<!tpu.dma_semaphore, #tpu.memory_space<semaphore_mem>>)
      %dma_start3A_61 = arith.constant 1 : i32
      %dma_start3A_62 = arith.constant 0 : i32
      %dma_start3A_63 = arith.constant 0 : i32
      %dma_start3A_64 = tpu.memref_slice %arg6[%dma_start3A_61, %dma_start3A_62, %dma_start3A_63] : memref<4x56x256xf32, #tpu.memory_space<vmem>> -> memref<1x56x256xf32, #tpu.memory_space<vmem>>
      %dma_start3A_65 = tpu.memref_squeeze %dma_start3A_64 : memref<1x56x256xf32, #tpu.memory_space<vmem>> -> memref<56x256xf32, #tpu.memory_space<vmem>>
      %dma_start3A_66 = arith.constant 64 : i32
      %dma_start3A_67 = tpu.memref_slice %arg5[%dma_start3A_66] : memref<256xi32, #tpu.memory_space<vmem>> -> memref<56xi32, #tpu.memory_space<vmem>>
      %dma_start3A_68 = arith.constant 0 : i32
      %dma_start3A_69 = arith.constant 0 : i32
      %dma_start3A_70 = tpu.memref_slice %arg3[%dma_start3A_68, %dma_start3A_69] : memref<256x256xf32, #tpu.memory_space<hbm>> -> memref<256x256xf32, #tpu.memory_space<hbm>>
      tpu.enqueue_indirect_dma source(%dma_start3A_70 : memref<256x256xf32, #tpu.memory_space<hbm>>) target(%dma_start3A_65 : memref<56x256xf32, #tpu.memory_space<vmem>>) offsets(%dma_start3A_67 : memref<56xi32, #tpu.memory_space<vmem>>) semaphore(%arg8 : memref<!tpu.dma_semaphore, #tpu.memory_space<semaphore_mem>>)
      %dma_start3A_71 = arith.constant 2 : i32
      %dma_start3A_72 = arith.constant 0 : i32
      %dma_start3A_73 = arith.constant 0 : i32
      %dma_start3A_74 = tpu.memref_slice %arg6[%dma_start3A_71, %dma_start3A_72, %dma_start3A_73] : memref<4x56x256xf32, #tpu.memory_space<vmem>> -> memref<1x56x256xf32, #tpu.memory_space<vmem>>
      %dma_start3A_75 = tpu.memref_squeeze %dma_start3A_74 : memref<1x56x256xf32, #tpu.memory_space<vmem>> -> memref<56x256xf32, #tpu.memory_space<vmem>>
      %dma_start3A_76 = arith.constant 128 : i32
      %dma_start3A_77 = tpu.memref_slice %arg5[%dma_start3A_76] : memref<256xi32, #tpu.memory_space<vmem>> -> memref<56xi32, #tpu.memory_space<vmem>>
      %dma_start3A_78 = arith.constant 0 : i32
      %dma_start3A_79 = arith.constant 0 : i32
      %dma_start3A_80 = tpu.memref_slice %arg3[%dma_start3A_78, %dma_start3A_79] : memref<256x256xf32, #tpu.memory_space<hbm>> -> memref<256x256xf32, #tpu.memory_space<hbm>>
      tpu.enqueue_indirect_dma source(%dma_start3A_80 : memref<256x256xf32, #tpu.memory_space<hbm>>) target(%dma_start3A_75 : memref<56x256xf32, #tpu.memory_space<vmem>>) offsets(%dma_start3A_77 : memref<56xi32, #tpu.memory_space<vmem>>) semaphore(%arg8 : memref<!tpu.dma_semaphore, #tpu.memory_space<semaphore_mem>>)
      %dma_start3A_81 = arith.constant 3 : i32
      %dma_start3A_82 = arith.constant 0 : i32
      %dma_start3A_83 = arith.constant 0 : i32
      %dma_start3A_84 = tpu.memref_slice %arg6[%dma_start3A_81, %dma_start3A_82, %dma_start3A_83] : memref<4x56x256xf32, #tpu.memory_space<vmem>> -> memref<1x56x256xf32, #tpu.memory_space<vmem>>
      %dma_start3A_85 = tpu.memref_squeeze %dma_start3A_84 : memref<1x56x256xf32, #tpu.memory_space<vmem>> -> memref<56x256xf32, #tpu.memory_space<vmem>>
      %dma_start3A_86 = arith.constant 192 : i32
      %dma_start3A_87 = tpu.memref_slice %arg5[%dma_start3A_86] : memref<256xi32, #tpu.memory_space<vmem>> -> memref<56xi32, #tpu.memory_space<vmem>>
      %dma_start3A_88 = arith.constant 0 : i32
      %dma_start3A_89 = arith.constant 0 : i32
      %dma_start3A_90 = tpu.memref_slice %arg3[%dma_start3A_88, %dma_start3A_89] : memref<256x256xf32, #tpu.memory_space<hbm>> -> memref<256x256xf32, #tpu.memory_space<hbm>>
      tpu.enqueue_indirect_dma source(%dma_start3A_90 : memref<256x256xf32, #tpu.memory_space<hbm>>) target(%dma_start3A_85 : memref<56x256xf32, #tpu.memory_space<vmem>>) offsets(%dma_start3A_87 : memref<56xi32, #tpu.memory_space<vmem>>) semaphore(%arg8 : memref<!tpu.dma_semaphore, #tpu.memory_space<semaphore_mem>>)
      %dma_wait3A_91 = arith.constant 0 : i32
      %dma_wait3A_92 = arith.constant 0 : i32
      %dma_wait3A_93 = arith.constant 0 : i32
      %dma_wait3A_94 = tpu.memref_slice %arg6[%dma_wait3A_91, %dma_wait3A_92, %dma_wait3A_93] : memref<4x56x256xf32, #tpu.memory_space<vmem>> -> memref<1x56x256xf32, #tpu.memory_space<vmem>>
      %dma_wait3A_95 = tpu.memref_squeeze %dma_wait3A_94 : memref<1x56x256xf32, #tpu.memory_space<vmem>> -> memref<56x256xf32, #tpu.memory_space<vmem>>
      %dma_wait3A_96 = arith.constant 0 : i32
      %dma_wait3A_97 = tpu.memref_slice %arg5[%dma_wait3A_96] : memref<256xi32, #tpu.memory_space<vmem>> -> memref<56xi32, #tpu.memory_space<vmem>>
      %dma_wait3A_98 = arith.constant 0 : i32
      %dma_wait3A_99 = arith.constant 0 : i32
      %dma_wait3A_100 = tpu.memref_slice %arg3[%dma_wait3A_98, %dma_wait3A_99] : memref<256x256xf32, #tpu.memory_space<hbm>> -> memref<256x256xf32, #tpu.memory_space<hbm>>
      tpu.wait_indirect_dma semaphore(%arg8 : memref<!tpu.dma_semaphore, #tpu.memory_space<semaphore_mem>>) src(%dma_wait3A_100 : memref<256x256xf32, #tpu.memory_space<hbm>>) dst(%dma_wait3A_95 : memref<56x256xf32, #tpu.memory_space<vmem>>)
      %dma_wait3A_101 = arith.constant 0 : i32
      %dma_wait3A_102 = arith.constant 0 : i32
      %dma_wait3A_103 = arith.constant 0 : i32
      %dma_wait3A_104 = tpu.memref_slice %arg6[%dma_wait3A_101, %dma_wait3A_102, %dma_wait3A_103] : memref<4x56x256xf32, #tpu.memory_space<vmem>> -> memref<1x56x256xf32, #tpu.memory_space<vmem>>
      %dma_wait3A_105 = tpu.memref_squeeze %dma_wait3A_104 : memref<1x56x256xf32, #tpu.memory_space<vmem>> -> memref<56x256xf32, #tpu.memory_space<vmem>>
      %dma_wait3A_106 = arith.constant 0 : i32
      %dma_wait3A_107 = tpu.memref_slice %arg5[%dma_wait3A_106] : memref<256xi32, #tpu.memory_space<vmem>> -> memref<56xi32, #tpu.memory_space<vmem>>
      %dma_wait3A_108 = arith.constant 0 : i32
      %dma_wait3A_109 = arith.constant 0 : i32
      %dma_wait3A_110 = tpu.memref_slice %arg3[%dma_wait3A_108, %dma_wait3A_109] : memref<256x256xf32, #tpu.memory_space<hbm>> -> memref<256x256xf32, #tpu.memory_space<hbm>>
      tpu.wait_indirect_dma semaphore(%arg8 : memref<!tpu.dma_semaphore, #tpu.memory_space<semaphore_mem>>) src(%dma_wait3A_110 : memref<256x256xf32, #tpu.memory_space<hbm>>) dst(%dma_wait3A_105 : memref<56x256xf32, #tpu.memory_space<vmem>>)
      %dma_wait3A_111 = arith.constant 0 : i32
      %dma_wait3A_112 = arith.constant 0 : i32
      %dma_wait3A_113 = arith.constant 0 : i32
      %dma_wait3A_114 = tpu.memref_slice %arg6[%dma_wait3A_111, %dma_wait3A_112, %dma_wait3A_113] : memref<4x56x256xf32, #tpu.memory_space<vmem>> -> memref<1x56x256xf32, #tpu.memory_space<vmem>>
      %dma_wait3A_115 = tpu.memref_squeeze %dma_wait3A_114 : memref<1x56x256xf32, #tpu.memory_space<vmem>> -> memref<56x256xf32, #tpu.memory_space<vmem>>
      %dma_wait3A_116 = arith.constant 0 : i32
      %dma_wait3A_117 = tpu.memref_slice %arg5[%dma_wait3A_116] : memref<256xi32, #tpu.memory_space<vmem>> -> memref<56xi32, #tpu.memory_space<vmem>>
      %dma_wait3A_118 = arith.constant 0 : i32
      %dma_wait3A_119 = arith.constant 0 : i32
      %dma_wait3A_120 = tpu.memref_slice %arg3[%dma_wait3A_118, %dma_wait3A_119] : memref<256x256xf32, #tpu.memory_space<hbm>> -> memref<256x256xf32, #tpu.memory_space<hbm>>
      tpu.wait_indirect_dma semaphore(%arg8 : memref<!tpu.dma_semaphore, #tpu.memory_space<semaphore_mem>>) src(%dma_wait3A_120 : memref<256x256xf32, #tpu.memory_space<hbm>>) dst(%dma_wait3A_115 : memref<56x256xf32, #tpu.memory_space<vmem>>)
      %dma_wait3A_121 = arith.constant 0 : i32
      %dma_wait3A_122 = arith.constant 0 : i32
      %dma_wait3A_123 = arith.constant 0 : i32
      %dma_wait3A_124 = tpu.memref_slice %arg6[%dma_wait3A_121, %dma_wait3A_122, %dma_wait3A_123] : memref<4x56x256xf32, #tpu.memory_space<vmem>> -> memref<1x56x256xf32, #tpu.memory_space<vmem>>
      %dma_wait3A_125 = tpu.memref_squeeze %dma_wait3A_124 : memref<1x56x256xf32, #tpu.memory_space<vmem>> -> memref<56x256xf32, #tpu.memory_space<vmem>>
      %dma_wait3A_126 = arith.constant 0 : i32
      %dma_wait3A_127 = tpu.memref_slice %arg5[%dma_wait3A_126] : memref<256xi32, #tpu.memory_space<vmem>> -> memref<56xi32, #tpu.memory_space<vmem>>
      %dma_wait3A_128 = arith.constant 0 : i32
      %dma_wait3A_129 = arith.constant 0 : i32
      %dma_wait3A_130 = tpu.memref_slice %arg3[%dma_wait3A_128, %dma_wait3A_129] : memref<256x256xf32, #tpu.memory_space<hbm>> -> memref<256x256xf32, #tpu.memory_space<hbm>>
      tpu.wait_indirect_dma semaphore(%arg8 : memref<!tpu.dma_semaphore, #tpu.memory_space<semaphore_mem>>) src(%dma_wait3A_130 : memref<256x256xf32, #tpu.memory_space<hbm>>) dst(%dma_wait3A_125 : memref<56x256xf32, #tpu.memory_space<vmem>>)
      %add3A_131 = arith.constant 2 : i32
      %add3A_132 = arith.addi %add3A_42, %add3A_131 : i32
      %lt3A = arith.constant 128 : i32
      %lt3A_133 = arith.cmpi slt, %add3A_132, %lt3A : i32
      %convert_element_type3A_134 = arith.extui %lt3A_133 : i1 to i32
      %cond3A_135 = arith.constant 0 : i32
      %cond3A_136 = arith.cmpi ne, %convert_element_type3A_134, %cond3A_135 : i32
      scf.if %cond3A_136 {
        %add3A_257 = arith.addi %mul3A_2, %add3A_42 : i32
        %add3A_258 = arith.constant 2 : i32
        %add3A_259 = arith.addi %add3A_257, %add3A_258 : i32
        %dma_start3A_260 = arith.constant 0 : i32
        %dma_start3A_261 = tpu.memref_slice %arg2[%add3A_259, %dma_start3A_260] : memref<4096x256xi32, #tpu.memory_space<hbm>> -> memref<1x256xi32, #tpu.memory_space<hbm>>
        %dma_start3A_262 = tpu.memref_squeeze %dma_start3A_261 : memref<1x256xi32, #tpu.memory_space<hbm>> -> memref<256xi32, #tpu.memory_space<hbm>>
        %dma_start3A_263 = arith.constant 0 : i32
        %dma_start3A_264 = tpu.memref_slice %arg2[%add3A_259, %dma_start3A_263] : memref<4096x256xi32, #tpu.memory_space<hbm>> -> memref<1x256xi32, #tpu.memory_space<hbm>>
        %dma_start3A_265 = tpu.memref_squeeze %dma_start3A_264 : memref<1x256xi32, #tpu.memory_space<hbm>> -> memref<256xi32, #tpu.memory_space<hbm>>
        tpu.enqueue_dma source(%dma_start3A_265 : memref<256xi32, #tpu.memory_space<hbm>>) target(%arg5 : memref<256xi32, #tpu.memory_space<vmem>>) target_semaphore(%arg7 : memref<!tpu.dma_semaphore, #tpu.memory_space<semaphore_mem>>)
      } else {
      }
      %add3A_137 = arith.addi %mul3A_2, %add3A_42 : i32
      %mul3A_138 = arith.constant 4 : i32
      %mul3A_139 = arith.muli %add3A_137, %mul3A_138 : i32
      %dma_start3A_140 = arith.constant 0 : i32
      %dma_start3A_141 = arith.constant 0 : i32
      %dma_start3A_142 = tpu.memref_slice %arg4[%mul3A_139, %dma_start3A_140, %dma_start3A_141] : memref<16384x56x256xf32, #tpu.memory_space<hbm>> -> memref<4x56x256xf32, #tpu.memory_space<hbm>>
      %dma_start3A_143 = arith.constant 0 : i32
      %dma_start3A_144 = arith.constant 0 : i32
      %dma_start3A_145 = tpu.memref_slice %arg4[%mul3A_139, %dma_start3A_143, %dma_start3A_144] : memref<16384x56x256xf32, #tpu.memory_space<hbm>> -> memref<4x56x256xf32, #tpu.memory_space<hbm>>
      tpu.enqueue_dma source(%arg6 : memref<4x56x256xf32, #tpu.memory_space<vmem>>) target(%dma_start3A_145 : memref<4x56x256xf32, #tpu.memory_space<hbm>>) target_semaphore(%arg9 : memref<!tpu.dma_semaphore, #tpu.memory_space<semaphore_mem>>)
      %mul3A_146 = arith.constant 2 : i32
      %mul3A_147 = arith.muli %scan3A_38, %mul3A_146 : i32
      %add3A_148 = arith.constant 1 : i32
      %add3A_149 = arith.addi %mul3A_147, %add3A_148 : i32
      %dma_wait3A_150 = arith.constant 0 : i32
      %dma_wait3A_151 = tpu.memref_slice %arg2[%mul3A_2, %dma_wait3A_150] : memref<4096x256xi32, #tpu.memory_space<hbm>> -> memref<1x256xi32, #tpu.memory_space<hbm>>
      %dma_wait3A_152 = tpu.memref_squeeze %dma_wait3A_151 : memref<1x256xi32, #tpu.memory_space<hbm>> -> memref<256xi32, #tpu.memory_space<hbm>>
      %dma_wait3A_153 = arith.constant 0 : i32
      %dma_wait3A_154 = tpu.memref_slice %arg2[%mul3A_2, %dma_wait3A_153] : memref<4096x256xi32, #tpu.memory_space<hbm>> -> memref<1x256xi32, #tpu.memory_space<hbm>>
      %dma_wait3A_155 = tpu.memref_squeeze %dma_wait3A_154 : memref<1x256xi32, #tpu.memory_space<hbm>> -> memref<256xi32, #tpu.memory_space<hbm>>
      tpu.wait_dma2 semaphore(%arg12 : memref<!tpu.dma_semaphore, #tpu.memory_space<semaphore_mem>>) src(%dma_wait3A_155 : memref<256xi32, #tpu.memory_space<hbm>>) dst(%arg10 : memref<256xi32, #tpu.memory_space<vmem>>)
      %ge3A_156 = arith.constant 2 : i32
      %ge3A_157 = arith.cmpi sge, %add3A_149, %ge3A_156 : i32
      %convert_element_type3A_158 = arith.extui %ge3A_157 : i1 to i32
      %cond3A_159 = arith.constant 0 : i32
      %cond3A_160 = arith.cmpi ne, %convert_element_type3A_158, %cond3A_159 : i32
      scf.if %cond3A_160 {
        %dma_wait3A_257 = arith.constant 0 : i32
        %dma_wait3A_258 = arith.constant 0 : i32
        %dma_wait3A_259 = arith.constant 0 : i32
        %dma_wait3A_260 = tpu.memref_slice %arg4[%dma_wait3A_257, %dma_wait3A_258, %dma_wait3A_259] : memref<16384x56x256xf32, #tpu.memory_space<hbm>> -> memref<4x56x256xf32, #tpu.memory_space<hbm>>
        %dma_wait3A_261 = arith.constant 0 : i32
        %dma_wait3A_262 = arith.constant 0 : i32
        %dma_wait3A_263 = arith.constant 0 : i32
        %dma_wait3A_264 = tpu.memref_slice %arg4[%dma_wait3A_261, %dma_wait3A_262, %dma_wait3A_263] : memref<16384x56x256xf32, #tpu.memory_space<hbm>> -> memref<4x56x256xf32, #tpu.memory_space<hbm>>
        tpu.wait_dma2 semaphore(%arg14 : memref<!tpu.dma_semaphore, #tpu.memory_space<semaphore_mem>>) src(%arg11 : memref<4x56x256xf32, #tpu.memory_space<vmem>>) dst(%dma_wait3A_264 : memref<4x56x256xf32, #tpu.memory_space<hbm>>)
      } else {
      }
      %dma_start3A_161 = arith.constant 0 : i32
      %dma_start3A_162 = arith.constant 0 : i32
      %dma_start3A_163 = arith.constant 0 : i32
      %dma_start3A_164 = tpu.memref_slice %arg11[%dma_start3A_161, %dma_start3A_162, %dma_start3A_163] : memref<4x56x256xf32, #tpu.memory_space<vmem>> -> memref<1x56x256xf32, #tpu.memory_space<vmem>>
      %dma_start3A_165 = tpu.memref_squeeze %dma_start3A_164 : memref<1x56x256xf32, #tpu.memory_space<vmem>> -> memref<56x256xf32, #tpu.memory_space<vmem>>
      %dma_start3A_166 = arith.constant 0 : i32
      %dma_start3A_167 = tpu.memref_slice %arg10[%dma_start3A_166] : memref<256xi32, #tpu.memory_space<vmem>> -> memref<56xi32, #tpu.memory_space<vmem>>
      %dma_start3A_168 = arith.constant 0 : i32
      %dma_start3A_169 = arith.constant 0 : i32
      %dma_start3A_170 = tpu.memref_slice %arg3[%dma_start3A_168, %dma_start3A_169] : memref<256x256xf32, #tpu.memory_space<hbm>> -> memref<256x256xf32, #tpu.memory_space<hbm>>
      tpu.enqueue_indirect_dma source(%dma_start3A_170 : memref<256x256xf32, #tpu.memory_space<hbm>>) target(%dma_start3A_165 : memref<56x256xf32, #tpu.memory_space<vmem>>) offsets(%dma_start3A_167 : memref<56xi32, #tpu.memory_space<vmem>>) semaphore(%arg13 : memref<!tpu.dma_semaphore, #tpu.memory_space<semaphore_mem>>)
      %dma_start3A_171 = arith.constant 1 : i32
      %dma_start3A_172 = arith.constant 0 : i32
      %dma_start3A_173 = arith.constant 0 : i32
      %dma_start3A_174 = tpu.memref_slice %arg11[%dma_start3A_171, %dma_start3A_172, %dma_start3A_173] : memref<4x56x256xf32, #tpu.memory_space<vmem>> -> memref<1x56x256xf32, #tpu.memory_space<vmem>>
      %dma_start3A_175 = tpu.memref_squeeze %dma_start3A_174 : memref<1x56x256xf32, #tpu.memory_space<vmem>> -> memref<56x256xf32, #tpu.memory_space<vmem>>
      %dma_start3A_176 = arith.constant 64 : i32
      %dma_start3A_177 = tpu.memref_slice %arg10[%dma_start3A_176] : memref<256xi32, #tpu.memory_space<vmem>> -> memref<56xi32, #tpu.memory_space<vmem>>
      %dma_start3A_178 = arith.constant 0 : i32
      %dma_start3A_179 = arith.constant 0 : i32
      %dma_start3A_180 = tpu.memref_slice %arg3[%dma_start3A_178, %dma_start3A_179] : memref<256x256xf32, #tpu.memory_space<hbm>> -> memref<256x256xf32, #tpu.memory_space<hbm>>
      tpu.enqueue_indirect_dma source(%dma_start3A_180 : memref<256x256xf32, #tpu.memory_space<hbm>>) target(%dma_start3A_175 : memref<56x256xf32, #tpu.memory_space<vmem>>) offsets(%dma_start3A_177 : memref<56xi32, #tpu.memory_space<vmem>>) semaphore(%arg13 : memref<!tpu.dma_semaphore, #tpu.memory_space<semaphore_mem>>)
      %dma_start3A_181 = arith.constant 2 : i32
      %dma_start3A_182 = arith.constant 0 : i32
      %dma_start3A_183 = arith.constant 0 : i32
      %dma_start3A_184 = tpu.memref_slice %arg11[%dma_start3A_181, %dma_start3A_182, %dma_start3A_183] : memref<4x56x256xf32, #tpu.memory_space<vmem>> -> memref<1x56x256xf32, #tpu.memory_space<vmem>>
      %dma_start3A_185 = tpu.memref_squeeze %dma_start3A_184 : memref<1x56x256xf32, #tpu.memory_space<vmem>> -> memref<56x256xf32, #tpu.memory_space<vmem>>
      %dma_start3A_186 = arith.constant 128 : i32
      %dma_start3A_187 = tpu.memref_slice %arg10[%dma_start3A_186] : memref<256xi32, #tpu.memory_space<vmem>> -> memref<56xi32, #tpu.memory_space<vmem>>
      %dma_start3A_188 = arith.constant 0 : i32
      %dma_start3A_189 = arith.constant 0 : i32
      %dma_start3A_190 = tpu.memref_slice %arg3[%dma_start3A_188, %dma_start3A_189] : memref<256x256xf32, #tpu.memory_space<hbm>> -> memref<256x256xf32, #tpu.memory_space<hbm>>
      tpu.enqueue_indirect_dma source(%dma_start3A_190 : memref<256x256xf32, #tpu.memory_space<hbm>>) target(%dma_start3A_185 : memref<56x256xf32, #tpu.memory_space<vmem>>) offsets(%dma_start3A_187 : memref<56xi32, #tpu.memory_space<vmem>>) semaphore(%arg13 : memref<!tpu.dma_semaphore, #tpu.memory_space<semaphore_mem>>)
      %dma_start3A_191 = arith.constant 3 : i32
      %dma_start3A_192 = arith.constant 0 : i32
      %dma_start3A_193 = arith.constant 0 : i32
      %dma_start3A_194 = tpu.memref_slice %arg11[%dma_start3A_191, %dma_start3A_192, %dma_start3A_193] : memref<4x56x256xf32, #tpu.memory_space<vmem>> -> memref<1x56x256xf32, #tpu.memory_space<vmem>>
      %dma_start3A_195 = tpu.memref_squeeze %dma_start3A_194 : memref<1x56x256xf32, #tpu.memory_space<vmem>> -> memref<56x256xf32, #tpu.memory_space<vmem>>
      %dma_start3A_196 = arith.constant 192 : i32
      %dma_start3A_197 = tpu.memref_slice %arg10[%dma_start3A_196] : memref<256xi32, #tpu.memory_space<vmem>> -> memref<56xi32, #tpu.memory_space<vmem>>
      %dma_start3A_198 = arith.constant 0 : i32
      %dma_start3A_199 = arith.constant 0 : i32
      %dma_start3A_200 = tpu.memref_slice %arg3[%dma_start3A_198, %dma_start3A_199] : memref<256x256xf32, #tpu.memory_space<hbm>> -> memref<256x256xf32, #tpu.memory_space<hbm>>
      tpu.enqueue_indirect_dma source(%dma_start3A_200 : memref<256x256xf32, #tpu.memory_space<hbm>>) target(%dma_start3A_195 : memref<56x256xf32, #tpu.memory_space<vmem>>) offsets(%dma_start3A_197 : memref<56xi32, #tpu.memory_space<vmem>>) semaphore(%arg13 : memref<!tpu.dma_semaphore, #tpu.memory_space<semaphore_mem>>)
      %dma_wait3A_201 = arith.constant 0 : i32
      %dma_wait3A_202 = arith.constant 0 : i32
      %dma_wait3A_203 = arith.constant 0 : i32
      %dma_wait3A_204 = tpu.memref_slice %arg11[%dma_wait3A_201, %dma_wait3A_202, %dma_wait3A_203] : memref<4x56x256xf32, #tpu.memory_space<vmem>> -> memref<1x56x256xf32, #tpu.memory_space<vmem>>
      %dma_wait3A_205 = tpu.memref_squeeze %dma_wait3A_204 : memref<1x56x256xf32, #tpu.memory_space<vmem>> -> memref<56x256xf32, #tpu.memory_space<vmem>>
      %dma_wait3A_206 = arith.constant 0 : i32
      %dma_wait3A_207 = tpu.memref_slice %arg10[%dma_wait3A_206] : memref<256xi32, #tpu.memory_space<vmem>> -> memref<56xi32, #tpu.memory_space<vmem>>
      %dma_wait3A_208 = arith.constant 0 : i32
      %dma_wait3A_209 = arith.constant 0 : i32
      %dma_wait3A_210 = tpu.memref_slice %arg3[%dma_wait3A_208, %dma_wait3A_209] : memref<256x256xf32, #tpu.memory_space<hbm>> -> memref<256x256xf32, #tpu.memory_space<hbm>>
      tpu.wait_indirect_dma semaphore(%arg13 : memref<!tpu.dma_semaphore, #tpu.memory_space<semaphore_mem>>) src(%dma_wait3A_210 : memref<256x256xf32, #tpu.memory_space<hbm>>) dst(%dma_wait3A_205 : memref<56x256xf32, #tpu.memory_space<vmem>>)
      %dma_wait3A_211 = arith.constant 0 : i32
      %dma_wait3A_212 = arith.constant 0 : i32
      %dma_wait3A_213 = arith.constant 0 : i32
      %dma_wait3A_214 = tpu.memref_slice %arg11[%dma_wait3A_211, %dma_wait3A_212, %dma_wait3A_213] : memref<4x56x256xf32, #tpu.memory_space<vmem>> -> memref<1x56x256xf32, #tpu.memory_space<vmem>>
      %dma_wait3A_215 = tpu.memref_squeeze %dma_wait3A_214 : memref<1x56x256xf32, #tpu.memory_space<vmem>> -> memref<56x256xf32, #tpu.memory_space<vmem>>
      %dma_wait3A_216 = arith.constant 0 : i32
      %dma_wait3A_217 = tpu.memref_slice %arg10[%dma_wait3A_216] : memref<256xi32, #tpu.memory_space<vmem>> -> memref<56xi32, #tpu.memory_space<vmem>>
      %dma_wait3A_218 = arith.constant 0 : i32
      %dma_wait3A_219 = arith.constant 0 : i32
      %dma_wait3A_220 = tpu.memref_slice %arg3[%dma_wait3A_218, %dma_wait3A_219] : memref<256x256xf32, #tpu.memory_space<hbm>> -> memref<256x256xf32, #tpu.memory_space<hbm>>
      tpu.wait_indirect_dma semaphore(%arg13 : memref<!tpu.dma_semaphore, #tpu.memory_space<semaphore_mem>>) src(%dma_wait3A_220 : memref<256x256xf32, #tpu.memory_space<hbm>>) dst(%dma_wait3A_215 : memref<56x256xf32, #tpu.memory_space<vmem>>)
      %dma_wait3A_221 = arith.constant 0 : i32
      %dma_wait3A_222 = arith.constant 0 : i32
      %dma_wait3A_223 = arith.constant 0 : i32
      %dma_wait3A_224 = tpu.memref_slice %arg11[%dma_wait3A_221, %dma_wait3A_222, %dma_wait3A_223] : memref<4x56x256xf32, #tpu.memory_space<vmem>> -> memref<1x56x256xf32, #tpu.memory_space<vmem>>
      %dma_wait3A_225 = tpu.memref_squeeze %dma_wait3A_224 : memref<1x56x256xf32, #tpu.memory_space<vmem>> -> memref<56x256xf32, #tpu.memory_space<vmem>>
      %dma_wait3A_226 = arith.constant 0 : i32
      %dma_wait3A_227 = tpu.memref_slice %arg10[%dma_wait3A_226] : memref<256xi32, #tpu.memory_space<vmem>> -> memref<56xi32, #tpu.memory_space<vmem>>
      %dma_wait3A_228 = arith.constant 0 : i32
      %dma_wait3A_229 = arith.constant 0 : i32
      %dma_wait3A_230 = tpu.memref_slice %arg3[%dma_wait3A_228, %dma_wait3A_229] : memref<256x256xf32, #tpu.memory_space<hbm>> -> memref<256x256xf32, #tpu.memory_space<hbm>>
      tpu.wait_indirect_dma semaphore(%arg13 : memref<!tpu.dma_semaphore, #tpu.memory_space<semaphore_mem>>) src(%dma_wait3A_230 : memref<256x256xf32, #tpu.memory_space<hbm>>) dst(%dma_wait3A_225 : memref<56x256xf32, #tpu.memory_space<vmem>>)
      %dma_wait3A_231 = arith.constant 0 : i32
      %dma_wait3A_232 = arith.constant 0 : i32
      %dma_wait3A_233 = arith.constant 0 : i32
      %dma_wait3A_234 = tpu.memref_slice %arg11[%dma_wait3A_231, %dma_wait3A_232, %dma_wait3A_233] : memref<4x56x256xf32, #tpu.memory_space<vmem>> -> memref<1x56x256xf32, #tpu.memory_space<vmem>>
      %dma_wait3A_235 = tpu.memref_squeeze %dma_wait3A_234 : memref<1x56x256xf32, #tpu.memory_space<vmem>> -> memref<56x256xf32, #tpu.memory_space<vmem>>
      %dma_wait3A_236 = arith.constant 0 : i32
      %dma_wait3A_237 = tpu.memref_slice %arg10[%dma_wait3A_236] : memref<256xi32, #tpu.memory_space<vmem>> -> memref<56xi32, #tpu.memory_space<vmem>>
      %dma_wait3A_238 = arith.constant 0 : i32
      %dma_wait3A_239 = arith.constant 0 : i32
      %dma_wait3A_240 = tpu.memref_slice %arg3[%dma_wait3A_238, %dma_wait3A_239] : memref<256x256xf32, #tpu.memory_space<hbm>> -> memref<256x256xf32, #tpu.memory_space<hbm>>
      tpu.wait_indirect_dma semaphore(%arg13 : memref<!tpu.dma_semaphore, #tpu.memory_space<semaphore_mem>>) src(%dma_wait3A_240 : memref<256x256xf32, #tpu.memory_space<hbm>>) dst(%dma_wait3A_235 : memref<56x256xf32, #tpu.memory_space<vmem>>)
      %add3A_241 = arith.constant 2 : i32
      %add3A_242 = arith.addi %add3A_149, %add3A_241 : i32
      %lt3A_243 = arith.constant 128 : i32
      %lt3A_244 = arith.cmpi slt, %add3A_242, %lt3A_243 : i32
      %convert_element_type3A_245 = arith.extui %lt3A_244 : i1 to i32
      %cond3A_246 = arith.constant 0 : i32
      %cond3A_247 = arith.cmpi ne, %convert_element_type3A_245, %cond3A_246 : i32
      scf.if %cond3A_247 {
        %add3A_257 = arith.addi %mul3A_2, %add3A_149 : i32
        %add3A_258 = arith.constant 2 : i32
        %add3A_259 = arith.addi %add3A_257, %add3A_258 : i32
        %dma_start3A_260 = arith.constant 0 : i32
        %dma_start3A_261 = tpu.memref_slice %arg2[%add3A_259, %dma_start3A_260] : memref<4096x256xi32, #tpu.memory_space<hbm>> -> memref<1x256xi32, #tpu.memory_space<hbm>>
        %dma_start3A_262 = tpu.memref_squeeze %dma_start3A_261 : memref<1x256xi32, #tpu.memory_space<hbm>> -> memref<256xi32, #tpu.memory_space<hbm>>
        %dma_start3A_263 = arith.constant 0 : i32
        %dma_start3A_264 = tpu.memref_slice %arg2[%add3A_259, %dma_start3A_263] : memref<4096x256xi32, #tpu.memory_space<hbm>> -> memref<1x256xi32, #tpu.memory_space<hbm>>
        %dma_start3A_265 = tpu.memref_squeeze %dma_start3A_264 : memref<1x256xi32, #tpu.memory_space<hbm>> -> memref<256xi32, #tpu.memory_space<hbm>>
        tpu.enqueue_dma source(%dma_start3A_265 : memref<256xi32, #tpu.memory_space<hbm>>) target(%arg10 : memref<256xi32, #tpu.memory_space<vmem>>) target_semaphore(%arg12 : memref<!tpu.dma_semaphore, #tpu.memory_space<semaphore_mem>>)
      } else {
      }
      %add3A_248 = arith.addi %mul3A_2, %add3A_149 : i32
      %mul3A_249 = arith.constant 4 : i32
      %mul3A_250 = arith.muli %add3A_248, %mul3A_249 : i32
      %dma_start3A_251 = arith.constant 0 : i32
      %dma_start3A_252 = arith.constant 0 : i32
      %dma_start3A_253 = tpu.memref_slice %arg4[%mul3A_250, %dma_start3A_251, %dma_start3A_252] : memref<16384x56x256xf32, #tpu.memory_space<hbm>> -> memref<4x56x256xf32, #tpu.memory_space<hbm>>
      %dma_start3A_254 = arith.constant 0 : i32
      %dma_start3A_255 = arith.constant 0 : i32
      %dma_start3A_256 = tpu.memref_slice %arg4[%mul3A_250, %dma_start3A_254, %dma_start3A_255] : memref<16384x56x256xf32, #tpu.memory_space<hbm>> -> memref<4x56x256xf32, #tpu.memory_space<hbm>>
      tpu.enqueue_dma source(%arg11 : memref<4x56x256xf32, #tpu.memory_space<vmem>>) target(%dma_start3A_256 : memref<4x56x256xf32, #tpu.memory_space<hbm>>) target_semaphore(%arg14 : memref<!tpu.dma_semaphore, #tpu.memory_space<semaphore_mem>>)
    }
    %scan3A_22 = arith.constant 64 : i32
    %dma_wait3A = arith.constant 0 : i32
    %dma_wait3A_23 = arith.constant 0 : i32
    %dma_wait3A_24 = arith.constant 0 : i32
    %dma_wait3A_25 = tpu.memref_slice %arg4[%dma_wait3A, %dma_wait3A_23, %dma_wait3A_24] : memref<16384x56x256xf32, #tpu.memory_space<hbm>> -> memref<4x56x256xf32, #tpu.memory_space<hbm>>
    %dma_wait3A_26 = arith.constant 0 : i32
    %dma_wait3A_27 = arith.constant 0 : i32
    %dma_wait3A_28 = arith.constant 0 : i32
    %dma_wait3A_29 = tpu.memref_slice %arg4[%dma_wait3A_26, %dma_wait3A_27, %dma_wait3A_28] : memref<16384x56x256xf32, #tpu.memory_space<hbm>> -> memref<4x56x256xf32, #tpu.memory_space<hbm>>
    tpu.wait_dma2 semaphore(%arg9 : memref<!tpu.dma_semaphore, #tpu.memory_space<semaphore_mem>>) src(%arg6 : memref<4x56x256xf32, #tpu.memory_space<vmem>>) dst(%dma_wait3A_29 : memref<4x56x256xf32, #tpu.memory_space<hbm>>)
    %dma_wait3A_30 = arith.constant 0 : i32
    %dma_wait3A_31 = arith.constant 0 : i32
    %dma_wait3A_32 = arith.constant 0 : i32
    %dma_wait3A_33 = tpu.memref_slice %arg4[%dma_wait3A_30, %dma_wait3A_31, %dma_wait3A_32] : memref<16384x56x256xf32, #tpu.memory_space<hbm>> -> memref<4x56x256xf32, #tpu.memory_space<hbm>>
    %dma_wait3A_34 = arith.constant 0 : i32
    %dma_wait3A_35 = arith.constant 0 : i32
    %dma_wait3A_36 = arith.constant 0 : i32
    %dma_wait3A_37 = tpu.memref_slice %arg4[%dma_wait3A_34, %dma_wait3A_35, %dma_wait3A_36] : memref<16384x56x256xf32, #tpu.memory_space<hbm>> -> memref<4x56x256xf32, #tpu.memory_space<hbm>>
    tpu.wait_dma2 semaphore(%arg14 : memref<!tpu.dma_semaphore, #tpu.memory_space<semaphore_mem>>) src(%arg11 : memref<4x56x256xf32, #tpu.memory_space<vmem>>) dst(%dma_wait3A_37 : memref<4x56x256xf32, #tpu.memory_space<hbm>>)
    return
  }
}

module attributes {stable_mosaic.version = 14 : i64} {
  func.func @_prep_kernel(%arg0: memref<16384x50xi32, #tpu.memory_space<vmem>>, %arg1: memref<16384x50xi32, #tpu.memory_space<vmem>>, %arg2: memref<13x256xf32, #tpu.memory_space<vmem>>, %arg3: memref<4x256xf32, #tpu.memory_space<vmem>>, %arg4: memref<4x256xf32, #tpu.memory_space<vmem>>, %arg5: memref<256x256xf32, #tpu.memory_space<vmem>>, %arg6: memref<16384x50xi32, #tpu.memory_space<vmem>>) attributes {dimension_semantics = [], scalar_prefetch = 0 : i64, scratch_operands = 0 : i64, tpu.core_type = #tpu.core_type<tc>} {
    %iota3A = tpu.iota {dimensions = array<i32: 0>} : vector<256x1xi32>
    %jit3A = arith.constant 4 : i32
    %div3A = vector.broadcast %jit3A : i32 to vector<256x1xi32>
    %div3A_0 = arith.divsi %iota3A, %div3A : vector<256x1xi32>
    %sign3A = arith.constant 0 : i32
    %sign3A_1 = vector.broadcast %sign3A : i32 to vector<256x1xi32>
    %sign3A_2 = arith.cmpi sgt, %iota3A, %sign3A_1 : vector<256x1xi32>
    %sign3A_3 = arith.extui %sign3A_2 : vector<256x1xi1> to vector<256x1xi32>
    %sign3A_4 = arith.constant 0 : i32
    %sign3A_5 = vector.broadcast %sign3A_4 : i32 to vector<256x1xi32>
    %sign3A_6 = arith.cmpi slt, %iota3A, %sign3A_5 : vector<256x1xi32>
    %sign3A_7 = arith.extui %sign3A_6 : vector<256x1xi1> to vector<256x1xi32>
    %sign3A_8 = arith.subi %sign3A_3, %sign3A_7 : vector<256x1xi32>
    %sign3A_9 = arith.constant 0 : i32
    %sign3A_10 = arith.cmpi sgt, %jit3A, %sign3A_9 : i32
    %sign3A_11 = arith.extui %sign3A_10 : i1 to i32
    %sign3A_12 = arith.constant 0 : i32
    %sign3A_13 = arith.cmpi slt, %jit3A, %sign3A_12 : i32
    %sign3A_14 = arith.extui %sign3A_13 : i1 to i32
    %sign3A_15 = arith.subi %sign3A_11, %sign3A_14 : i32
    %ne3A = vector.broadcast %sign3A_15 : i32 to vector<256x1xi32>
    %ne3A_16 = arith.cmpi ne, %sign3A_8, %ne3A : vector<256x1xi32>
    %rem3A = vector.broadcast %jit3A : i32 to vector<256x1xi32>
    %rem3A_17 = arith.remsi %iota3A, %rem3A : vector<256x1xi32>
    %ne3A_18 = arith.constant 0 : i32
    %ne3A_19 = vector.broadcast %ne3A_18 : i32 to vector<256x1xi32>
    %ne3A_20 = arith.cmpi ne, %rem3A_17, %ne3A_19 : vector<256x1xi32>
    %and3A = arith.andi %ne3A_16, %ne3A_20 : vector<256x1xi1>
    %sub3A = arith.constant 1 : i32
    %sub3A_21 = vector.broadcast %sub3A : i32 to vector<256x1xi32>
    %sub3A_22 = arith.subi %div3A_0, %sub3A_21 : vector<256x1xi32>
    %select_n3A = arith.select %and3A, %sub3A_22, %div3A_0 : vector<256x1xi1>, vector<256x1xi32>
    %jit3A_23 = arith.constant 4 : i32
    %eq3A = arith.constant 0 : i32
    %eq3A_24 = arith.cmpi eq, %jit3A_23, %eq3A : i32
    %jit3A_25 = arith.constant 1 : i32
    %select_n3A_26 = arith.select %eq3A_24, %jit3A_25, %jit3A_23 : i32
    %rem3A_27 = vector.broadcast %select_n3A_26 : i32 to vector<256x1xi32>
    %rem3A_28 = arith.remsi %iota3A, %rem3A_27 : vector<256x1xi32>
    %ne3A_29 = arith.constant 0 : i32
    %ne3A_30 = vector.broadcast %ne3A_29 : i32 to vector<256x1xi32>
    %ne3A_31 = arith.cmpi ne, %rem3A_28, %ne3A_30 : vector<256x1xi32>
    %lt3A = arith.constant 0 : i32
    %lt3A_32 = vector.broadcast %lt3A : i32 to vector<256x1xi32>
    %lt3A_33 = arith.cmpi slt, %rem3A_28, %lt3A_32 : vector<256x1xi32>
    %lt3A_34 = arith.constant 0 : i32
    %lt3A_35 = arith.cmpi slt, %select_n3A_26, %lt3A_34 : i32
    %ne3A_36 = vector.broadcast %lt3A_35 : i1 to vector<256x1xi1>
    %ne3A_37 = vector.broadcast %ne3A_36 : vector<256x1xi1> to vector<256x1xi1>
    %ne3A_38 = arith.xori %lt3A_33, %ne3A_37 : vector<256x1xi1>
    %and3A_39 = arith.andi %ne3A_38, %ne3A_31 : vector<256x1xi1>
    %add3A = vector.broadcast %select_n3A_26 : i32 to vector<256x1xi32>
    %add3A_40 = arith.addi %rem3A_28, %add3A : vector<256x1xi32>
    %select_n3A_41 = arith.select %and3A_39, %add3A_40, %rem3A_28 : vector<256x1xi1>, vector<256x1xi32>
    %jit3A_42 = arith.constant 13 : i32
    %eq3A_43 = arith.constant 0 : i32
    %eq3A_44 = arith.cmpi eq, %jit3A_42, %eq3A_43 : i32
    %jit3A_45 = arith.constant 1 : i32
    %select_n3A_46 = arith.select %eq3A_44, %jit3A_45, %jit3A_42 : i32
    %rem3A_47 = vector.broadcast %select_n3A_46 : i32 to vector<256x1xi32>
    %rem3A_48 = arith.remsi %select_n3A, %rem3A_47 : vector<256x1xi32>
    %ne3A_49 = arith.constant 0 : i32
    %ne3A_50 = vector.broadcast %ne3A_49 : i32 to vector<256x1xi32>
    %ne3A_51 = arith.cmpi ne, %rem3A_48, %ne3A_50 : vector<256x1xi32>
    %lt3A_52 = arith.constant 0 : i32
    %lt3A_53 = vector.broadcast %lt3A_52 : i32 to vector<256x1xi32>
    %lt3A_54 = arith.cmpi slt, %rem3A_48, %lt3A_53 : vector<256x1xi32>
    %lt3A_55 = arith.constant 0 : i32
    %lt3A_56 = arith.cmpi slt, %select_n3A_46, %lt3A_55 : i32
    %ne3A_57 = vector.broadcast %lt3A_56 : i1 to vector<256x1xi1>
    %ne3A_58 = vector.broadcast %ne3A_57 : vector<256x1xi1> to vector<256x1xi1>
    %ne3A_59 = arith.xori %lt3A_54, %ne3A_58 : vector<256x1xi1>
    %and3A_60 = arith.andi %ne3A_59, %ne3A_51 : vector<256x1xi1>
    %add3A_61 = vector.broadcast %select_n3A_46 : i32 to vector<256x1xi32>
    %add3A_62 = arith.addi %rem3A_48, %add3A_61 : vector<256x1xi32>
    %select_n3A_63 = arith.select %and3A_60, %add3A_62, %rem3A_48 : vector<256x1xi1>, vector<256x1xi32>
    %jit3A_64 = arith.constant 13 : i32
    %div3A_65 = vector.broadcast %jit3A_64 : i32 to vector<256x1xi32>
    %div3A_66 = arith.divsi %select_n3A, %div3A_65 : vector<256x1xi32>
    %sign3A_67 = arith.constant 0 : i32
    %sign3A_68 = vector.broadcast %sign3A_67 : i32 to vector<256x1xi32>
    %sign3A_69 = arith.cmpi sgt, %select_n3A, %sign3A_68 : vector<256x1xi32>
    %sign3A_70 = arith.extui %sign3A_69 : vector<256x1xi1> to vector<256x1xi32>
    %sign3A_71 = arith.constant 0 : i32
    %sign3A_72 = vector.broadcast %sign3A_71 : i32 to vector<256x1xi32>
    %sign3A_73 = arith.cmpi slt, %select_n3A, %sign3A_72 : vector<256x1xi32>
    %sign3A_74 = arith.extui %sign3A_73 : vector<256x1xi1> to vector<256x1xi32>
    %sign3A_75 = arith.subi %sign3A_70, %sign3A_74 : vector<256x1xi32>
    %sign3A_76 = arith.constant 0 : i32
    %sign3A_77 = arith.cmpi sgt, %jit3A_64, %sign3A_76 : i32
    %sign3A_78 = arith.extui %sign3A_77 : i1 to i32
    %sign3A_79 = arith.constant 0 : i32
    %sign3A_80 = arith.cmpi slt, %jit3A_64, %sign3A_79 : i32
    %sign3A_81 = arith.extui %sign3A_80 : i1 to i32
    %sign3A_82 = arith.subi %sign3A_78, %sign3A_81 : i32
    %ne3A_83 = vector.broadcast %sign3A_82 : i32 to vector<256x1xi32>
    %ne3A_84 = arith.cmpi ne, %sign3A_75, %ne3A_83 : vector<256x1xi32>
    %rem3A_85 = vector.broadcast %jit3A_64 : i32 to vector<256x1xi32>
    %rem3A_86 = arith.remsi %select_n3A, %rem3A_85 : vector<256x1xi32>
    %ne3A_87 = arith.constant 0 : i32
    %ne3A_88 = vector.broadcast %ne3A_87 : i32 to vector<256x1xi32>
    %ne3A_89 = arith.cmpi ne, %rem3A_86, %ne3A_88 : vector<256x1xi32>
    %and3A_90 = arith.andi %ne3A_84, %ne3A_89 : vector<256x1xi1>
    %sub3A_91 = arith.constant 1 : i32
    %sub3A_92 = vector.broadcast %sub3A_91 : i32 to vector<256x1xi32>
    %sub3A_93 = arith.subi %div3A_66, %sub3A_92 : vector<256x1xi32>
    %select_n3A_94 = arith.select %and3A_90, %sub3A_93, %div3A_66 : vector<256x1xi1>, vector<256x1xi32>
    %lt3A_95 = arith.constant 52 : i32
    %lt3A_96 = vector.broadcast %lt3A_95 : i32 to vector<256x1xi32>
    %lt3A_97 = arith.cmpi slt, %select_n3A, %lt3A_96 : vector<256x1xi32>
    %broadcast_in_dim3A = arith.constant 0.000000e+00 : f32
    %broadcast_in_dim3A_98 = vector.broadcast %broadcast_in_dim3A : f32 to vector<256x256xf32>
    %eq3A_99 = arith.constant 0 : i32
    %eq3A_100 = vector.broadcast %eq3A_99 : i32 to vector<256x1xi32>
    %eq3A_101 = arith.cmpi eq, %select_n3A_63, %eq3A_100 : vector<256x1xi32>
    %jit3A_102 = arith.constant 1.000000e+00 : f32
    %jit3A_103 = arith.constant 0.000000e+00 : f32
    %broadcast_in_dim3A_104 = vector.broadcast %jit3A_102 : f32 to vector<256x1xf32>
    %broadcast_in_dim3A_105 = vector.broadcast %jit3A_103 : f32 to vector<256x1xf32>
    %select_n3A_106 = arith.select %eq3A_101, %broadcast_in_dim3A_104, %broadcast_in_dim3A_105 : vector<256x1xi1>, vector<256x1xf32>
    %get3A = arith.constant 0 : index
    %get3A_107 = arith.constant 0 : index
    %get3A_108 = vector.load %arg2[%get3A, %get3A_107] : memref<13x256xf32, #tpu.memory_space<vmem>>, vector<1x256xf32>
    %get3A_109 = vector.shape_cast %get3A_108 : vector<1x256xf32> to vector<256xf32>
    %broadcast_in_dim3A_110 = vector.shape_cast %get3A_109 : vector<256xf32> to vector<1x256xf32>
    %mul3A = vector.broadcast %select_n3A_106 : vector<256x1xf32> to vector<256x256xf32>
    %mul3A_111 = vector.broadcast %broadcast_in_dim3A_110 : vector<1x256xf32> to vector<256x256xf32>
    %mul3A_112 = arith.mulf %mul3A, %mul3A_111 : vector<256x256xf32>
    %add3A_113 = arith.addf %broadcast_in_dim3A_98, %mul3A_112 : vector<256x256xf32>
    %eq3A_114 = arith.constant 1 : i32
    %eq3A_115 = vector.broadcast %eq3A_114 : i32 to vector<256x1xi32>
    %eq3A_116 = arith.cmpi eq, %select_n3A_63, %eq3A_115 : vector<256x1xi32>
    %jit3A_117 = arith.constant 1.000000e+00 : f32
    %jit3A_118 = arith.constant 0.000000e+00 : f32
    %broadcast_in_dim3A_119 = vector.broadcast %jit3A_117 : f32 to vector<256x1xf32>
    %broadcast_in_dim3A_120 = vector.broadcast %jit3A_118 : f32 to vector<256x1xf32>
    %select_n3A_121 = arith.select %eq3A_116, %broadcast_in_dim3A_119, %broadcast_in_dim3A_120 : vector<256x1xi1>, vector<256x1xf32>
    %get3A_122 = arith.constant 1 : index
    %get3A_123 = arith.constant 0 : index
    %get3A_124 = vector.load %arg2[%get3A_122, %get3A_123] : memref<13x256xf32, #tpu.memory_space<vmem>>, vector<1x256xf32>
    %get3A_125 = vector.shape_cast %get3A_124 : vector<1x256xf32> to vector<256xf32>
    %broadcast_in_dim3A_126 = vector.shape_cast %get3A_125 : vector<256xf32> to vector<1x256xf32>
    %mul3A_127 = vector.broadcast %select_n3A_121 : vector<256x1xf32> to vector<256x256xf32>
    %mul3A_128 = vector.broadcast %broadcast_in_dim3A_126 : vector<1x256xf32> to vector<256x256xf32>
    %mul3A_129 = arith.mulf %mul3A_127, %mul3A_128 : vector<256x256xf32>
    %add3A_130 = arith.addf %add3A_113, %mul3A_129 : vector<256x256xf32>
    %eq3A_131 = arith.constant 2 : i32
    %eq3A_132 = vector.broadcast %eq3A_131 : i32 to vector<256x1xi32>
    %eq3A_133 = arith.cmpi eq, %select_n3A_63, %eq3A_132 : vector<256x1xi32>
    %jit3A_134 = arith.constant 1.000000e+00 : f32
    %jit3A_135 = arith.constant 0.000000e+00 : f32
    %broadcast_in_dim3A_136 = vector.broadcast %jit3A_134 : f32 to vector<256x1xf32>
    %broadcast_in_dim3A_137 = vector.broadcast %jit3A_135 : f32 to vector<256x1xf32>
    %select_n3A_138 = arith.select %eq3A_133, %broadcast_in_dim3A_136, %broadcast_in_dim3A_137 : vector<256x1xi1>, vector<256x1xf32>
    %get3A_139 = arith.constant 2 : index
    %get3A_140 = arith.constant 0 : index
    %get3A_141 = vector.load %arg2[%get3A_139, %get3A_140] : memref<13x256xf32, #tpu.memory_space<vmem>>, vector<1x256xf32>
    %get3A_142 = vector.shape_cast %get3A_141 : vector<1x256xf32> to vector<256xf32>
    %broadcast_in_dim3A_143 = vector.shape_cast %get3A_142 : vector<256xf32> to vector<1x256xf32>
    %mul3A_144 = vector.broadcast %select_n3A_138 : vector<256x1xf32> to vector<256x256xf32>
    %mul3A_145 = vector.broadcast %broadcast_in_dim3A_143 : vector<1x256xf32> to vector<256x256xf32>
    %mul3A_146 = arith.mulf %mul3A_144, %mul3A_145 : vector<256x256xf32>
    %add3A_147 = arith.addf %add3A_130, %mul3A_146 : vector<256x256xf32>
    %eq3A_148 = arith.constant 3 : i32
    %eq3A_149 = vector.broadcast %eq3A_148 : i32 to vector<256x1xi32>
    %eq3A_150 = arith.cmpi eq, %select_n3A_63, %eq3A_149 : vector<256x1xi32>
    %jit3A_151 = arith.constant 1.000000e+00 : f32
    %jit3A_152 = arith.constant 0.000000e+00 : f32
    %broadcast_in_dim3A_153 = vector.broadcast %jit3A_151 : f32 to vector<256x1xf32>
    %broadcast_in_dim3A_154 = vector.broadcast %jit3A_152 : f32 to vector<256x1xf32>
    %select_n3A_155 = arith.select %eq3A_150, %broadcast_in_dim3A_153, %broadcast_in_dim3A_154 : vector<256x1xi1>, vector<256x1xf32>
    %get3A_156 = arith.constant 3 : index
    %get3A_157 = arith.constant 0 : index
    %get3A_158 = vector.load %arg2[%get3A_156, %get3A_157] : memref<13x256xf32, #tpu.memory_space<vmem>>, vector<1x256xf32>
    %get3A_159 = vector.shape_cast %get3A_158 : vector<1x256xf32> to vector<256xf32>
    %broadcast_in_dim3A_160 = vector.shape_cast %get3A_159 : vector<256xf32> to vector<1x256xf32>
    %mul3A_161 = vector.broadcast %select_n3A_155 : vector<256x1xf32> to vector<256x256xf32>
    %mul3A_162 = vector.broadcast %broadcast_in_dim3A_160 : vector<1x256xf32> to vector<256x256xf32>
    %mul3A_163 = arith.mulf %mul3A_161, %mul3A_162 : vector<256x256xf32>
    %add3A_164 = arith.addf %add3A_147, %mul3A_163 : vector<256x256xf32>
    %eq3A_165 = arith.constant 4 : i32
    %eq3A_166 = vector.broadcast %eq3A_165 : i32 to vector<256x1xi32>
    %eq3A_167 = arith.cmpi eq, %select_n3A_63, %eq3A_166 : vector<256x1xi32>
    %jit3A_168 = arith.constant 1.000000e+00 : f32
    %jit3A_169 = arith.constant 0.000000e+00 : f32
    %broadcast_in_dim3A_170 = vector.broadcast %jit3A_168 : f32 to vector<256x1xf32>
    %broadcast_in_dim3A_171 = vector.broadcast %jit3A_169 : f32 to vector<256x1xf32>
    %select_n3A_172 = arith.select %eq3A_167, %broadcast_in_dim3A_170, %broadcast_in_dim3A_171 : vector<256x1xi1>, vector<256x1xf32>
    %get3A_173 = arith.constant 4 : index
    %get3A_174 = arith.constant 0 : index
    %get3A_175 = vector.load %arg2[%get3A_173, %get3A_174] : memref<13x256xf32, #tpu.memory_space<vmem>>, vector<1x256xf32>
    %get3A_176 = vector.shape_cast %get3A_175 : vector<1x256xf32> to vector<256xf32>
    %broadcast_in_dim3A_177 = vector.shape_cast %get3A_176 : vector<256xf32> to vector<1x256xf32>
    %mul3A_178 = vector.broadcast %select_n3A_172 : vector<256x1xf32> to vector<256x256xf32>
    %mul3A_179 = vector.broadcast %broadcast_in_dim3A_177 : vector<1x256xf32> to vector<256x256xf32>
    %mul3A_180 = arith.mulf %mul3A_178, %mul3A_179 : vector<256x256xf32>
    %add3A_181 = arith.addf %add3A_164, %mul3A_180 : vector<256x256xf32>
    %eq3A_182 = arith.constant 5 : i32
    %eq3A_183 = vector.broadcast %eq3A_182 : i32 to vector<256x1xi32>
    %eq3A_184 = arith.cmpi eq, %select_n3A_63, %eq3A_183 : vector<256x1xi32>
    %jit3A_185 = arith.constant 1.000000e+00 : f32
    %jit3A_186 = arith.constant 0.000000e+00 : f32
    %broadcast_in_dim3A_187 = vector.broadcast %jit3A_185 : f32 to vector<256x1xf32>
    %broadcast_in_dim3A_188 = vector.broadcast %jit3A_186 : f32 to vector<256x1xf32>
    %select_n3A_189 = arith.select %eq3A_184, %broadcast_in_dim3A_187, %broadcast_in_dim3A_188 : vector<256x1xi1>, vector<256x1xf32>
    %get3A_190 = arith.constant 5 : index
    %get3A_191 = arith.constant 0 : index
    %get3A_192 = vector.load %arg2[%get3A_190, %get3A_191] : memref<13x256xf32, #tpu.memory_space<vmem>>, vector<1x256xf32>
    %get3A_193 = vector.shape_cast %get3A_192 : vector<1x256xf32> to vector<256xf32>
    %broadcast_in_dim3A_194 = vector.shape_cast %get3A_193 : vector<256xf32> to vector<1x256xf32>
    %mul3A_195 = vector.broadcast %select_n3A_189 : vector<256x1xf32> to vector<256x256xf32>
    %mul3A_196 = vector.broadcast %broadcast_in_dim3A_194 : vector<1x256xf32> to vector<256x256xf32>
    %mul3A_197 = arith.mulf %mul3A_195, %mul3A_196 : vector<256x256xf32>
    %add3A_198 = arith.addf %add3A_181, %mul3A_197 : vector<256x256xf32>
    %eq3A_199 = arith.constant 6 : i32
    %eq3A_200 = vector.broadcast %eq3A_199 : i32 to vector<256x1xi32>
    %eq3A_201 = arith.cmpi eq, %select_n3A_63, %eq3A_200 : vector<256x1xi32>
    %jit3A_202 = arith.constant 1.000000e+00 : f32
    %jit3A_203 = arith.constant 0.000000e+00 : f32
    %broadcast_in_dim3A_204 = vector.broadcast %jit3A_202 : f32 to vector<256x1xf32>
    %broadcast_in_dim3A_205 = vector.broadcast %jit3A_203 : f32 to vector<256x1xf32>
    %select_n3A_206 = arith.select %eq3A_201, %broadcast_in_dim3A_204, %broadcast_in_dim3A_205 : vector<256x1xi1>, vector<256x1xf32>
    %get3A_207 = arith.constant 6 : index
    %get3A_208 = arith.constant 0 : index
    %get3A_209 = vector.load %arg2[%get3A_207, %get3A_208] : memref<13x256xf32, #tpu.memory_space<vmem>>, vector<1x256xf32>
    %get3A_210 = vector.shape_cast %get3A_209 : vector<1x256xf32> to vector<256xf32>
    %broadcast_in_dim3A_211 = vector.shape_cast %get3A_210 : vector<256xf32> to vector<1x256xf32>
    %mul3A_212 = vector.broadcast %select_n3A_206 : vector<256x1xf32> to vector<256x256xf32>
    %mul3A_213 = vector.broadcast %broadcast_in_dim3A_211 : vector<1x256xf32> to vector<256x256xf32>
    %mul3A_214 = arith.mulf %mul3A_212, %mul3A_213 : vector<256x256xf32>
    %add3A_215 = arith.addf %add3A_198, %mul3A_214 : vector<256x256xf32>
    %eq3A_216 = arith.constant 7 : i32
    %eq3A_217 = vector.broadcast %eq3A_216 : i32 to vector<256x1xi32>
    %eq3A_218 = arith.cmpi eq, %select_n3A_63, %eq3A_217 : vector<256x1xi32>
    %jit3A_219 = arith.constant 1.000000e+00 : f32
    %jit3A_220 = arith.constant 0.000000e+00 : f32
    %broadcast_in_dim3A_221 = vector.broadcast %jit3A_219 : f32 to vector<256x1xf32>
    %broadcast_in_dim3A_222 = vector.broadcast %jit3A_220 : f32 to vector<256x1xf32>
    %select_n3A_223 = arith.select %eq3A_218, %broadcast_in_dim3A_221, %broadcast_in_dim3A_222 : vector<256x1xi1>, vector<256x1xf32>
    %get3A_224 = arith.constant 7 : index
    %get3A_225 = arith.constant 0 : index
    %get3A_226 = vector.load %arg2[%get3A_224, %get3A_225] : memref<13x256xf32, #tpu.memory_space<vmem>>, vector<1x256xf32>
    %get3A_227 = vector.shape_cast %get3A_226 : vector<1x256xf32> to vector<256xf32>
    %broadcast_in_dim3A_228 = vector.shape_cast %get3A_227 : vector<256xf32> to vector<1x256xf32>
    %mul3A_229 = vector.broadcast %select_n3A_223 : vector<256x1xf32> to vector<256x256xf32>
    %mul3A_230 = vector.broadcast %broadcast_in_dim3A_228 : vector<1x256xf32> to vector<256x256xf32>
    %mul3A_231 = arith.mulf %mul3A_229, %mul3A_230 : vector<256x256xf32>
    %add3A_232 = arith.addf %add3A_215, %mul3A_231 : vector<256x256xf32>
    %eq3A_233 = arith.constant 8 : i32
    %eq3A_234 = vector.broadcast %eq3A_233 : i32 to vector<256x1xi32>
    %eq3A_235 = arith.cmpi eq, %select_n3A_63, %eq3A_234 : vector<256x1xi32>
    %jit3A_236 = arith.constant 1.000000e+00 : f32
    %jit3A_237 = arith.constant 0.000000e+00 : f32
    %broadcast_in_dim3A_238 = vector.broadcast %jit3A_236 : f32 to vector<256x1xf32>
    %broadcast_in_dim3A_239 = vector.broadcast %jit3A_237 : f32 to vector<256x1xf32>
    %select_n3A_240 = arith.select %eq3A_235, %broadcast_in_dim3A_238, %broadcast_in_dim3A_239 : vector<256x1xi1>, vector<256x1xf32>
    %get3A_241 = arith.constant 8 : index
    %get3A_242 = arith.constant 0 : index
    %get3A_243 = vector.load %arg2[%get3A_241, %get3A_242] : memref<13x256xf32, #tpu.memory_space<vmem>>, vector<1x256xf32>
    %get3A_244 = vector.shape_cast %get3A_243 : vector<1x256xf32> to vector<256xf32>
    %broadcast_in_dim3A_245 = vector.shape_cast %get3A_244 : vector<256xf32> to vector<1x256xf32>
    %mul3A_246 = vector.broadcast %select_n3A_240 : vector<256x1xf32> to vector<256x256xf32>
    %mul3A_247 = vector.broadcast %broadcast_in_dim3A_245 : vector<1x256xf32> to vector<256x256xf32>
    %mul3A_248 = arith.mulf %mul3A_246, %mul3A_247 : vector<256x256xf32>
    %add3A_249 = arith.addf %add3A_232, %mul3A_248 : vector<256x256xf32>
    %eq3A_250 = arith.constant 9 : i32
    %eq3A_251 = vector.broadcast %eq3A_250 : i32 to vector<256x1xi32>
    %eq3A_252 = arith.cmpi eq, %select_n3A_63, %eq3A_251 : vector<256x1xi32>
    %jit3A_253 = arith.constant 1.000000e+00 : f32
    %jit3A_254 = arith.constant 0.000000e+00 : f32
    %broadcast_in_dim3A_255 = vector.broadcast %jit3A_253 : f32 to vector<256x1xf32>
    %broadcast_in_dim3A_256 = vector.broadcast %jit3A_254 : f32 to vector<256x1xf32>
    %select_n3A_257 = arith.select %eq3A_252, %broadcast_in_dim3A_255, %broadcast_in_dim3A_256 : vector<256x1xi1>, vector<256x1xf32>
    %get3A_258 = arith.constant 9 : index
    %get3A_259 = arith.constant 0 : index
    %get3A_260 = vector.load %arg2[%get3A_258, %get3A_259] : memref<13x256xf32, #tpu.memory_space<vmem>>, vector<1x256xf32>
    %get3A_261 = vector.shape_cast %get3A_260 : vector<1x256xf32> to vector<256xf32>
    %broadcast_in_dim3A_262 = vector.shape_cast %get3A_261 : vector<256xf32> to vector<1x256xf32>
    %mul3A_263 = vector.broadcast %select_n3A_257 : vector<256x1xf32> to vector<256x256xf32>
    %mul3A_264 = vector.broadcast %broadcast_in_dim3A_262 : vector<1x256xf32> to vector<256x256xf32>
    %mul3A_265 = arith.mulf %mul3A_263, %mul3A_264 : vector<256x256xf32>
    %add3A_266 = arith.addf %add3A_249, %mul3A_265 : vector<256x256xf32>
    %eq3A_267 = arith.constant 10 : i32
    %eq3A_268 = vector.broadcast %eq3A_267 : i32 to vector<256x1xi32>
    %eq3A_269 = arith.cmpi eq, %select_n3A_63, %eq3A_268 : vector<256x1xi32>
    %jit3A_270 = arith.constant 1.000000e+00 : f32
    %jit3A_271 = arith.constant 0.000000e+00 : f32
    %broadcast_in_dim3A_272 = vector.broadcast %jit3A_270 : f32 to vector<256x1xf32>
    %broadcast_in_dim3A_273 = vector.broadcast %jit3A_271 : f32 to vector<256x1xf32>
    %select_n3A_274 = arith.select %eq3A_269, %broadcast_in_dim3A_272, %broadcast_in_dim3A_273 : vector<256x1xi1>, vector<256x1xf32>
    %get3A_275 = arith.constant 10 : index
    %get3A_276 = arith.constant 0 : index
    %get3A_277 = vector.load %arg2[%get3A_275, %get3A_276] : memref<13x256xf32, #tpu.memory_space<vmem>>, vector<1x256xf32>
    %get3A_278 = vector.shape_cast %get3A_277 : vector<1x256xf32> to vector<256xf32>
    %broadcast_in_dim3A_279 = vector.shape_cast %get3A_278 : vector<256xf32> to vector<1x256xf32>
    %mul3A_280 = vector.broadcast %select_n3A_274 : vector<256x1xf32> to vector<256x256xf32>
    %mul3A_281 = vector.broadcast %broadcast_in_dim3A_279 : vector<1x256xf32> to vector<256x256xf32>
    %mul3A_282 = arith.mulf %mul3A_280, %mul3A_281 : vector<256x256xf32>
    %add3A_283 = arith.addf %add3A_266, %mul3A_282 : vector<256x256xf32>
    %eq3A_284 = arith.constant 11 : i32
    %eq3A_285 = vector.broadcast %eq3A_284 : i32 to vector<256x1xi32>
    %eq3A_286 = arith.cmpi eq, %select_n3A_63, %eq3A_285 : vector<256x1xi32>
    %jit3A_287 = arith.constant 1.000000e+00 : f32
    %jit3A_288 = arith.constant 0.000000e+00 : f32
    %broadcast_in_dim3A_289 = vector.broadcast %jit3A_287 : f32 to vector<256x1xf32>
    %broadcast_in_dim3A_290 = vector.broadcast %jit3A_288 : f32 to vector<256x1xf32>
    %select_n3A_291 = arith.select %eq3A_286, %broadcast_in_dim3A_289, %broadcast_in_dim3A_290 : vector<256x1xi1>, vector<256x1xf32>
    %get3A_292 = arith.constant 11 : index
    %get3A_293 = arith.constant 0 : index
    %get3A_294 = vector.load %arg2[%get3A_292, %get3A_293] : memref<13x256xf32, #tpu.memory_space<vmem>>, vector<1x256xf32>
    %get3A_295 = vector.shape_cast %get3A_294 : vector<1x256xf32> to vector<256xf32>
    %broadcast_in_dim3A_296 = vector.shape_cast %get3A_295 : vector<256xf32> to vector<1x256xf32>
    %mul3A_297 = vector.broadcast %select_n3A_291 : vector<256x1xf32> to vector<256x256xf32>
    %mul3A_298 = vector.broadcast %broadcast_in_dim3A_296 : vector<1x256xf32> to vector<256x256xf32>
    %mul3A_299 = arith.mulf %mul3A_297, %mul3A_298 : vector<256x256xf32>
    %add3A_300 = arith.addf %add3A_283, %mul3A_299 : vector<256x256xf32>
    %eq3A_301 = arith.constant 12 : i32
    %eq3A_302 = vector.broadcast %eq3A_301 : i32 to vector<256x1xi32>
    %eq3A_303 = arith.cmpi eq, %select_n3A_63, %eq3A_302 : vector<256x1xi32>
    %jit3A_304 = arith.constant 1.000000e+00 : f32
    %jit3A_305 = arith.constant 0.000000e+00 : f32
    %broadcast_in_dim3A_306 = vector.broadcast %jit3A_304 : f32 to vector<256x1xf32>
    %broadcast_in_dim3A_307 = vector.broadcast %jit3A_305 : f32 to vector<256x1xf32>
    %select_n3A_308 = arith.select %eq3A_303, %broadcast_in_dim3A_306, %broadcast_in_dim3A_307 : vector<256x1xi1>, vector<256x1xf32>
    %get3A_309 = arith.constant 12 : index
    %get3A_310 = arith.constant 0 : index
    %get3A_311 = vector.load %arg2[%get3A_309, %get3A_310] : memref<13x256xf32, #tpu.memory_space<vmem>>, vector<1x256xf32>
    %get3A_312 = vector.shape_cast %get3A_311 : vector<1x256xf32> to vector<256xf32>
    %broadcast_in_dim3A_313 = vector.shape_cast %get3A_312 : vector<256xf32> to vector<1x256xf32>
    %mul3A_314 = vector.broadcast %select_n3A_308 : vector<256x1xf32> to vector<256x256xf32>
    %mul3A_315 = vector.broadcast %broadcast_in_dim3A_313 : vector<1x256xf32> to vector<256x256xf32>
    %mul3A_316 = arith.mulf %mul3A_314, %mul3A_315 : vector<256x256xf32>
    %add3A_317 = arith.addf %add3A_300, %mul3A_316 : vector<256x256xf32>
    %eq3A_318 = arith.constant 0 : i32
    %eq3A_319 = vector.broadcast %eq3A_318 : i32 to vector<256x1xi32>
    %eq3A_320 = arith.cmpi eq, %select_n3A_94, %eq3A_319 : vector<256x1xi32>
    %jit3A_321 = arith.constant 1.000000e+00 : f32
    %jit3A_322 = arith.constant 0.000000e+00 : f32
    %broadcast_in_dim3A_323 = vector.broadcast %jit3A_321 : f32 to vector<256x1xf32>
    %broadcast_in_dim3A_324 = vector.broadcast %jit3A_322 : f32 to vector<256x1xf32>
    %select_n3A_325 = arith.select %eq3A_320, %broadcast_in_dim3A_323, %broadcast_in_dim3A_324 : vector<256x1xi1>, vector<256x1xf32>
    %get3A_326 = arith.constant 0 : index
    %get3A_327 = arith.constant 0 : index
    %get3A_328 = vector.load %arg3[%get3A_326, %get3A_327] : memref<4x256xf32, #tpu.memory_space<vmem>>, vector<1x256xf32>
    %get3A_329 = vector.shape_cast %get3A_328 : vector<1x256xf32> to vector<256xf32>
    %broadcast_in_dim3A_330 = vector.shape_cast %get3A_329 : vector<256xf32> to vector<1x256xf32>
    %mul3A_331 = vector.broadcast %select_n3A_325 : vector<256x1xf32> to vector<256x256xf32>
    %mul3A_332 = vector.broadcast %broadcast_in_dim3A_330 : vector<1x256xf32> to vector<256x256xf32>
    %mul3A_333 = arith.mulf %mul3A_331, %mul3A_332 : vector<256x256xf32>
    %add3A_334 = arith.addf %add3A_317, %mul3A_333 : vector<256x256xf32>
    %eq3A_335 = arith.constant 0 : i32
    %eq3A_336 = vector.broadcast %eq3A_335 : i32 to vector<256x1xi32>
    %eq3A_337 = arith.cmpi eq, %select_n3A_41, %eq3A_336 : vector<256x1xi32>
    %jit3A_338 = arith.constant 1.000000e+00 : f32
    %jit3A_339 = arith.constant 0.000000e+00 : f32
    %broadcast_in_dim3A_340 = vector.broadcast %jit3A_338 : f32 to vector<256x1xf32>
    %broadcast_in_dim3A_341 = vector.broadcast %jit3A_339 : f32 to vector<256x1xf32>
    %select_n3A_342 = arith.select %eq3A_337, %broadcast_in_dim3A_340, %broadcast_in_dim3A_341 : vector<256x1xi1>, vector<256x1xf32>
    %get3A_343 = arith.constant 0 : index
    %get3A_344 = arith.constant 0 : index
    %get3A_345 = vector.load %arg4[%get3A_343, %get3A_344] : memref<4x256xf32, #tpu.memory_space<vmem>>, vector<1x256xf32>
    %get3A_346 = vector.shape_cast %get3A_345 : vector<1x256xf32> to vector<256xf32>
    %broadcast_in_dim3A_347 = vector.shape_cast %get3A_346 : vector<256xf32> to vector<1x256xf32>
    %mul3A_348 = vector.broadcast %select_n3A_342 : vector<256x1xf32> to vector<256x256xf32>
    %mul3A_349 = vector.broadcast %broadcast_in_dim3A_347 : vector<1x256xf32> to vector<256x256xf32>
    %mul3A_350 = arith.mulf %mul3A_348, %mul3A_349 : vector<256x256xf32>
    %add3A_351 = arith.addf %add3A_334, %mul3A_350 : vector<256x256xf32>
    %eq3A_352 = arith.constant 1 : i32
    %eq3A_353 = vector.broadcast %eq3A_352 : i32 to vector<256x1xi32>
    %eq3A_354 = arith.cmpi eq, %select_n3A_94, %eq3A_353 : vector<256x1xi32>
    %jit3A_355 = arith.constant 1.000000e+00 : f32
    %jit3A_356 = arith.constant 0.000000e+00 : f32
    %broadcast_in_dim3A_357 = vector.broadcast %jit3A_355 : f32 to vector<256x1xf32>
    %broadcast_in_dim3A_358 = vector.broadcast %jit3A_356 : f32 to vector<256x1xf32>
    %select_n3A_359 = arith.select %eq3A_354, %broadcast_in_dim3A_357, %broadcast_in_dim3A_358 : vector<256x1xi1>, vector<256x1xf32>
    %get3A_360 = arith.constant 1 : index
    %get3A_361 = arith.constant 0 : index
    %get3A_362 = vector.load %arg3[%get3A_360, %get3A_361] : memref<4x256xf32, #tpu.memory_space<vmem>>, vector<1x256xf32>
    %get3A_363 = vector.shape_cast %get3A_362 : vector<1x256xf32> to vector<256xf32>
    %broadcast_in_dim3A_364 = vector.shape_cast %get3A_363 : vector<256xf32> to vector<1x256xf32>
    %mul3A_365 = vector.broadcast %select_n3A_359 : vector<256x1xf32> to vector<256x256xf32>
    %mul3A_366 = vector.broadcast %broadcast_in_dim3A_364 : vector<1x256xf32> to vector<256x256xf32>
    %mul3A_367 = arith.mulf %mul3A_365, %mul3A_366 : vector<256x256xf32>
    %add3A_368 = arith.addf %add3A_351, %mul3A_367 : vector<256x256xf32>
    %eq3A_369 = arith.constant 1 : i32
    %eq3A_370 = vector.broadcast %eq3A_369 : i32 to vector<256x1xi32>
    %eq3A_371 = arith.cmpi eq, %select_n3A_41, %eq3A_370 : vector<256x1xi32>
    %jit3A_372 = arith.constant 1.000000e+00 : f32
    %jit3A_373 = arith.constant 0.000000e+00 : f32
    %broadcast_in_dim3A_374 = vector.broadcast %jit3A_372 : f32 to vector<256x1xf32>
    %broadcast_in_dim3A_375 = vector.broadcast %jit3A_373 : f32 to vector<256x1xf32>
    %select_n3A_376 = arith.select %eq3A_371, %broadcast_in_dim3A_374, %broadcast_in_dim3A_375 : vector<256x1xi1>, vector<256x1xf32>
    %get3A_377 = arith.constant 1 : index
    %get3A_378 = arith.constant 0 : index
    %get3A_379 = vector.load %arg4[%get3A_377, %get3A_378] : memref<4x256xf32, #tpu.memory_space<vmem>>, vector<1x256xf32>
    %get3A_380 = vector.shape_cast %get3A_379 : vector<1x256xf32> to vector<256xf32>
    %broadcast_in_dim3A_381 = vector.shape_cast %get3A_380 : vector<256xf32> to vector<1x256xf32>
    %mul3A_382 = vector.broadcast %select_n3A_376 : vector<256x1xf32> to vector<256x256xf32>
    %mul3A_383 = vector.broadcast %broadcast_in_dim3A_381 : vector<1x256xf32> to vector<256x256xf32>
    %mul3A_384 = arith.mulf %mul3A_382, %mul3A_383 : vector<256x256xf32>
    %add3A_385 = arith.addf %add3A_368, %mul3A_384 : vector<256x256xf32>
    %eq3A_386 = arith.constant 2 : i32
    %eq3A_387 = vector.broadcast %eq3A_386 : i32 to vector<256x1xi32>
    %eq3A_388 = arith.cmpi eq, %select_n3A_94, %eq3A_387 : vector<256x1xi32>
    %jit3A_389 = arith.constant 1.000000e+00 : f32
    %jit3A_390 = arith.constant 0.000000e+00 : f32
    %broadcast_in_dim3A_391 = vector.broadcast %jit3A_389 : f32 to vector<256x1xf32>
    %broadcast_in_dim3A_392 = vector.broadcast %jit3A_390 : f32 to vector<256x1xf32>
    %select_n3A_393 = arith.select %eq3A_388, %broadcast_in_dim3A_391, %broadcast_in_dim3A_392 : vector<256x1xi1>, vector<256x1xf32>
    %get3A_394 = arith.constant 2 : index
    %get3A_395 = arith.constant 0 : index
    %get3A_396 = vector.load %arg3[%get3A_394, %get3A_395] : memref<4x256xf32, #tpu.memory_space<vmem>>, vector<1x256xf32>
    %get3A_397 = vector.shape_cast %get3A_396 : vector<1x256xf32> to vector<256xf32>
    %broadcast_in_dim3A_398 = vector.shape_cast %get3A_397 : vector<256xf32> to vector<1x256xf32>
    %mul3A_399 = vector.broadcast %select_n3A_393 : vector<256x1xf32> to vector<256x256xf32>
    %mul3A_400 = vector.broadcast %broadcast_in_dim3A_398 : vector<1x256xf32> to vector<256x256xf32>
    %mul3A_401 = arith.mulf %mul3A_399, %mul3A_400 : vector<256x256xf32>
    %add3A_402 = arith.addf %add3A_385, %mul3A_401 : vector<256x256xf32>
    %eq3A_403 = arith.constant 2 : i32
    %eq3A_404 = vector.broadcast %eq3A_403 : i32 to vector<256x1xi32>
    %eq3A_405 = arith.cmpi eq, %select_n3A_41, %eq3A_404 : vector<256x1xi32>
    %jit3A_406 = arith.constant 1.000000e+00 : f32
    %jit3A_407 = arith.constant 0.000000e+00 : f32
    %broadcast_in_dim3A_408 = vector.broadcast %jit3A_406 : f32 to vector<256x1xf32>
    %broadcast_in_dim3A_409 = vector.broadcast %jit3A_407 : f32 to vector<256x1xf32>
    %select_n3A_410 = arith.select %eq3A_405, %broadcast_in_dim3A_408, %broadcast_in_dim3A_409 : vector<256x1xi1>, vector<256x1xf32>
    %get3A_411 = arith.constant 2 : index
    %get3A_412 = arith.constant 0 : index
    %get3A_413 = vector.load %arg4[%get3A_411, %get3A_412] : memref<4x256xf32, #tpu.memory_space<vmem>>, vector<1x256xf32>
    %get3A_414 = vector.shape_cast %get3A_413 : vector<1x256xf32> to vector<256xf32>
    %broadcast_in_dim3A_415 = vector.shape_cast %get3A_414 : vector<256xf32> to vector<1x256xf32>
    %mul3A_416 = vector.broadcast %select_n3A_410 : vector<256x1xf32> to vector<256x256xf32>
    %mul3A_417 = vector.broadcast %broadcast_in_dim3A_415 : vector<1x256xf32> to vector<256x256xf32>
    %mul3A_418 = arith.mulf %mul3A_416, %mul3A_417 : vector<256x256xf32>
    %add3A_419 = arith.addf %add3A_402, %mul3A_418 : vector<256x256xf32>
    %eq3A_420 = arith.constant 3 : i32
    %eq3A_421 = vector.broadcast %eq3A_420 : i32 to vector<256x1xi32>
    %eq3A_422 = arith.cmpi eq, %select_n3A_94, %eq3A_421 : vector<256x1xi32>
    %jit3A_423 = arith.constant 1.000000e+00 : f32
    %jit3A_424 = arith.constant 0.000000e+00 : f32
    %broadcast_in_dim3A_425 = vector.broadcast %jit3A_423 : f32 to vector<256x1xf32>
    %broadcast_in_dim3A_426 = vector.broadcast %jit3A_424 : f32 to vector<256x1xf32>
    %select_n3A_427 = arith.select %eq3A_422, %broadcast_in_dim3A_425, %broadcast_in_dim3A_426 : vector<256x1xi1>, vector<256x1xf32>
    %get3A_428 = arith.constant 3 : index
    %get3A_429 = arith.constant 0 : index
    %get3A_430 = vector.load %arg3[%get3A_428, %get3A_429] : memref<4x256xf32, #tpu.memory_space<vmem>>, vector<1x256xf32>
    %get3A_431 = vector.shape_cast %get3A_430 : vector<1x256xf32> to vector<256xf32>
    %broadcast_in_dim3A_432 = vector.shape_cast %get3A_431 : vector<256xf32> to vector<1x256xf32>
    %mul3A_433 = vector.broadcast %select_n3A_427 : vector<256x1xf32> to vector<256x256xf32>
    %mul3A_434 = vector.broadcast %broadcast_in_dim3A_432 : vector<1x256xf32> to vector<256x256xf32>
    %mul3A_435 = arith.mulf %mul3A_433, %mul3A_434 : vector<256x256xf32>
    %add3A_436 = arith.addf %add3A_419, %mul3A_435 : vector<256x256xf32>
    %eq3A_437 = arith.constant 3 : i32
    %eq3A_438 = vector.broadcast %eq3A_437 : i32 to vector<256x1xi32>
    %eq3A_439 = arith.cmpi eq, %select_n3A_41, %eq3A_438 : vector<256x1xi32>
    %jit3A_440 = arith.constant 1.000000e+00 : f32
    %jit3A_441 = arith.constant 0.000000e+00 : f32
    %broadcast_in_dim3A_442 = vector.broadcast %jit3A_440 : f32 to vector<256x1xf32>
    %broadcast_in_dim3A_443 = vector.broadcast %jit3A_441 : f32 to vector<256x1xf32>
    %select_n3A_444 = arith.select %eq3A_439, %broadcast_in_dim3A_442, %broadcast_in_dim3A_443 : vector<256x1xi1>, vector<256x1xf32>
    %get3A_445 = arith.constant 3 : index
    %get3A_446 = arith.constant 0 : index
    %get3A_447 = vector.load %arg4[%get3A_445, %get3A_446] : memref<4x256xf32, #tpu.memory_space<vmem>>, vector<1x256xf32>
    %get3A_448 = vector.shape_cast %get3A_447 : vector<1x256xf32> to vector<256xf32>
    %broadcast_in_dim3A_449 = vector.shape_cast %get3A_448 : vector<256xf32> to vector<1x256xf32>
    %mul3A_450 = vector.broadcast %select_n3A_444 : vector<256x1xf32> to vector<256x256xf32>
    %mul3A_451 = vector.broadcast %broadcast_in_dim3A_449 : vector<1x256xf32> to vector<256x256xf32>
    %mul3A_452 = arith.mulf %mul3A_450, %mul3A_451 : vector<256x256xf32>
    %add3A_453 = arith.addf %add3A_436, %mul3A_452 : vector<256x256xf32>
    %jit3A_454 = arith.constant 0.000000e+00 : f32
    %broadcast_in_dim3A_455 = vector.shape_cast %lt3A_97 : vector<256x1xi1> to vector<256x1xi1>
    %broadcast_in_dim3A_456 = vector.broadcast %broadcast_in_dim3A_455 : vector<256x1xi1> to vector<256x256xi1>
    %broadcast_in_dim3A_457 = vector.broadcast %jit3A_454 : f32 to vector<256x256xf32>
    %select_n3A_458 = arith.select %broadcast_in_dim3A_456, %add3A_453, %broadcast_in_dim3A_457 : vector<256x256xi1>, vector<256x256xf32>
    %swap3A = arith.constant 0 : index
    %swap3A_459 = arith.constant 0 : index
    %swap3A_460 = vector.load %arg5[%swap3A, %swap3A_459] : memref<256x256xf32, #tpu.memory_space<vmem>>, vector<256x256xf32>
    tpu.vector_store %arg5[%swap3A, %swap3A_459], %select_n3A_458 {strides = array<i32>} : memref<256x256xf32, #tpu.memory_space<vmem>>, vector<256x256xf32>,
    %get3A_461 = arith.constant 0 : index
    %get3A_462 = arith.constant 0 : index
    %get3A_463 = vector.load %arg0[%get3A_461, %get3A_462] : memref<16384x50xi32, #tpu.memory_space<vmem>>, vector<16384x50xi32>
    %get3A_464 = arith.constant 0 : index
    %get3A_465 = arith.constant 0 : index
    %get3A_466 = vector.load %arg1[%get3A_464, %get3A_465] : memref<16384x50xi32, #tpu.memory_space<vmem>>, vector<16384x50xi32>
    %ge3A = arith.constant 0 : i32
    %ge3A_467 = vector.broadcast %ge3A : i32 to vector<16384x50xi32>
    %ge3A_468 = arith.cmpi sge, %get3A_463, %ge3A_467 : vector<16384x50xi32>
    %lt3A_469 = arith.constant 52 : i32
    %lt3A_470 = vector.broadcast %lt3A_469 : i32 to vector<16384x50xi32>
    %lt3A_471 = arith.cmpi slt, %get3A_463, %lt3A_470 : vector<16384x50xi32>
    %and3A_472 = arith.andi %ge3A_468, %lt3A_471 : vector<16384x50xi1>
    %jit3A_473 = arith.constant 52 : i32
    %broadcast_in_dim3A_474 = vector.broadcast %jit3A_473 : i32 to vector<16384x50xi32>
    %select_n3A_475 = arith.select %and3A_472, %get3A_463, %broadcast_in_dim3A_474 : vector<16384x50xi1>, vector<16384x50xi32>
    %jit3A_476 = arith.constant 0 : i32
    %jit3A_477 = arith.constant 3 : i32
    %max3A = vector.broadcast %jit3A_476 : i32 to vector<16384x50xi32>
    %max3A_478 = arith.maxsi %max3A, %get3A_466 : vector<16384x50xi32>
    %min3A = vector.broadcast %jit3A_477 : i32 to vector<16384x50xi32>
    %min3A_479 = arith.minsi %min3A, %max3A_478 : vector<16384x50xi32>
    %mul3A_480 = arith.constant 4 : i32
    %mul3A_481 = vector.broadcast %mul3A_480 : i32 to vector<16384x50xi32>
    %mul3A_482 = arith.muli %select_n3A_475, %mul3A_481 : vector<16384x50xi32>
    %add3A_483 = arith.addi %mul3A_482, %min3A_479 : vector<16384x50xi32>
    %swap3A_484 = arith.constant 0 : index
    %swap3A_485 = arith.constant 0 : index
    %swap3A_486 = vector.load %arg6[%swap3A_484, %swap3A_485] : memref<16384x50xi32, #tpu.memory_space<vmem>>, vector<16384x50xi32>
    tpu.vector_store %arg6[%swap3A_484, %swap3A_485], %add3A_483 {strides = array<i32>} : memref<16384x50xi32, #tpu.memory_space<vmem>>, vector<16384x50xi32>,
    return
  }
}

</mosaic_0001>

<sc_bundles>
// kernel: kernel.4.cloned.1.call-start
scs
__scs_entry_jumppad:
0x0: {  	(pc) =	sbr.rel $0x88, $3  }
0x1: {  	(tag) =	ssettag $0x0;
	lr =	simm.s32 $0x1  }
0x2: {  	[smem:$0x3F9C] =	sst lr;
	_ =	strace $0xD0000000  }
0x3: {  	_ = 	snop  }
0x4: {  	_ = 	snop  }
0x5: {  	_ = 	snop  }
0x6: {  	_ = 	snop  }
0x7: {  	_ = 	snop  }
__scs_overlays_trampoline_lowered:
0x8: {  	[smem:$0x3FAB] =	sst s0  }
0x9: {  	[smem:$0x3FAC] =	sst s1  }
0xa: {  	[smem:$0x3FAD] =	sst s2  }
0xb: {  	[smem:$0x3FAE] =	sst s3  }
0xc: {  	[smem:$0x3FAF] =	sst s4  }
0xd: {  	[smem:$0x3FB0] =	sst s5  }
0xe: {  	[smem:$0x3FB1] =	sst s6  }
0xf: {  	[smem:$0x3FB2] =	sst s7  }
0x10: {  	[smem:$0x3FB3] =	sst s8  }
0x11: {  	[smem:$0x3FB4] =	sst s9;
	s0 =	simm.s32 @!p0 $0x0  }
0x12: {  	s1 =	sld [smem:$0x3F9A];
	s0 =	simm.s32 @p0 $0x1  }
0x13: {  	[smem:$0x3FB5] =	sst s0;
	s0 =	simm.s32 @!p1 $0x0  }
0x14: {  	s2 =	sld [smem:$0x3F99];
	s0 =	simm.s32 @p1 $0x1  }
0x15: {  	[smem:$0x3FB6] =	sst s0;
	s0 =	simm.s32 @!p2 $0x0  }
0x16: {  	s3 =	sld [smem:$0x3FDB];
	s0 =	simm.s32 @p2 $0x1  }
0x17: {  	s4 =	simm.s32 $0x1BF5;
	[smem:$0x3FB8] =	sst s0  }
0x18: {  	s0 =	sld [smem:$0x3F9B];
	_ =	swait.ge [sflag:s4], $0x0  }
0x19: {  	s7 =	sld [smem:$0x3F9C]  }
0x1a: {  	s8 =	sadd.s32 $0xFFFFE003, lr  }
0x1b: {  	s9 =	sadd.s32 $0xFFFFFEF7, lr;
	s5 =	simm.s32 $0xFFFFFFFF;
	p2 =	slt.u32 s8, $0xFFFFF086  }
0x1c: {  	p1 =	slt.u32 s9, $0xF7A;
	s5 =	simm.s32 @!p2 $0x0  }
0x1d: {  	s5 =	simm.s32 @p1 $0x1;
	p0 =	seq.s32 s7, s2  }
0x1e: {  	s7 =	smul.u32 @!p0 $0xF7A, s2;
	p2 =	seq.s32 @!p0 s5, $0x0  }
0x1f: {  	s9 =	smul.u32 $0xF7A, s1;
	s8 =	simm.s32 @!p0 $0x1BF5;
	p2 =	por !p2, p0  }
0x20: {  	[sflag:s8] =	ssyncset.s32 @!p0 $0xFFFFF086;
	s6 =	sadd.s32 @!p0 s3, s7;
	s7 =	simm.s32 @!p0 $0x108  }
0x21: {  	s3 =	sadd.s32 s3, s9;
	s6 =	sadd.s32 @!p0 $0x88, s6;
	s7 =	simm.s32 @p2 $0x1082  }
0x22: {  	[simem:s7], [sflag:s8] =	dma.local @!p0 [hbm:s6], $0xF7A  }
0x23: {  	s9 =	sor.u32 $0xD0000000, s2;
	s6 =	simm.s32 $0x108;
	_ =	swait.ge @!p0 [sflag:s8], $0x0  }
0x24: {  	s3 =	sadd.s32 $0x88, s3;
	s6 =	simm.s32 @!p1 $0x1082;
	[sflag:s4] =	ssyncset.s32 $0xFFFFF086  }
0x25: {  	[simem:s6], [sflag:s4] =	dma.local [hbm:s3], $0xF7A  }
0x26: {  	[smem:$0x3F9C] =	sst s1;
	(tag) =	ssettag s2;
	_ =	strace s9  }
0x27: {  	s1 =	sld [smem:$0x3FAC]  }
0x28: {  	s2 =	sld [smem:$0x3FAD]  }
0x29: {  	s4 =	sld [smem:$0x3FAF]  }
0x2a: {  	p0 =	seq.s32 s5, $0x0;
	s5 =	sld [smem:$0x3FB0]  }
0x2b: {  	s6 =	sld [smem:$0x3FB1]  }
0x2c: {  	s7 =	sld [smem:$0x3FB2]  }
0x2d: {  	s3 =	simm.s32 $0x108;
	s8 =	sld [smem:$0x3FB3]  }
0x2e: {  	s3 =	simm.s32 @!p0 $0x1082;
	s9 =	sld [smem:$0x3FB4]  }
0x2f: {  	lr =	sadd.s32 s0, s3;
	s0 =	sld [smem:$0x3FAB]  }
0x30: {  	s3 =	sld [smem:$0x3FAE]  }
0x31: {  	[smem:$0x3FB7] =	sst s10  }
0x32: {  	s10 =	sld [smem:$0x3FB5];
	_ =	sdelay $0x3  }
0x33: {  	p0 =	seq.s32 s10, $0x1;
	s10 =	sld [smem:$0x3FB7];
	_ =	sdelay $0x3  }
0x34: {  	[smem:$0x3FB7] =	sst s10  }
0x35: {  	s10 =	sld [smem:$0x3FB6];
	_ =	sdelay $0x3  }
0x36: {  	p1 =	seq.s32 s10, $0x1;
	s10 =	sld [smem:$0x3FB7];
	_ =	sdelay $0x3  }
0x37: {  	[smem:$0x3FB7] =	sst s10  }
0x38: {  	s10 =	sld [smem:$0x3FB8]  }
0x39: {  	_ = 	snop;
	(pc) =	sbr.ind lr, $3  }
0x3a: {  	_ = 	snop  }
0x3b: {  	_ = 	snop  }
0x3c: {  	p2 =	seq.s32 s10, $0x1;
	s10 =	sld [smem:$0x3FB7]  }
0x3d: {  	_ =	shalt  }
0x3e: {  	_ =	shalt  }
0x3f: {  	_ =	shalt  }
0x40: {  	_ =	shalt  }
0x41: {  	_ =	shalt  }
0x42: {  	_ =	shalt  }
0x43: {  	_ =	shalt  }
0x44: {  	_ =	shalt  }
0x45: {  	_ =	shalt  }
0x46: {  	_ =	shalt  }
0x47: {  	_ =	shalt  }
0x48: {  	_ =	shalt  }
0x49: {  	_ =	shalt  }
0x4a: {  	_ =	shalt  }
0x4b: {  	_ =	shalt  }
0x4c: {  	_ =	shalt  }
0x4d: {  	_ =	shalt  }
0x4e: {  	_ =	shalt  }
0x4f: {  	_ =	shalt  }
0x50: {  	_ =	shalt  }
0x51: {  	_ =	shalt  }
0x52: {  	_ =	shalt  }
0x53: {  	_ =	shalt  }
0x54: {  	_ =	shalt  }
0x55: {  	_ =	shalt  }
0x56: {  	_ =	shalt  }
0x57: {  	_ =	shalt  }
0x58: {  	_ =	shalt  }
0x59: {  	_ =	shalt  }
0x5a: {  	_ =	shalt  }
0x5b: {  	_ =	shalt  }
0x5c: {  	_ =	shalt  }
0x5d: {  	_ =	shalt  }
0x5e: {  	_ =	shalt  }
0x5f: {  	_ =	shalt  }
0x60: {  	_ =	shalt  }
0x61: {  	_ =	shalt  }
0x62: {  	_ =	shalt  }
0x63: {  	_ =	shalt  }
0x64: {  	_ =	shalt  }
0x65: {  	_ =	shalt  }
0x66: {  	_ =	shalt  }
0x67: {  	_ =	shalt  }
0x68: {  	_ =	shalt  }
0x69: {  	_ =	shalt  }
0x6a: {  	_ =	shalt  }
0x6b: {  	_ =	shalt  }
0x6c: {  	_ =	shalt  }
0x6d: {  	_ =	shalt  }
0x6e: {  	_ =	shalt  }
0x6f: {  	_ =	shalt  }
0x70: {  	_ =	shalt  }
0x71: {  	_ =	shalt  }
0x72: {  	_ =	shalt  }
0x73: {  	_ =	shalt  }
0x74: {  	_ =	shalt  }
0x75: {  	_ =	shalt  }
0x76: {  	_ =	shalt  }
0x77: {  	_ =	shalt  }
0x78: {  	_ =	shalt  }
0x79: {  	_ =	shalt  }
0x7a: {  	_ =	shalt  }
0x7b: {  	_ =	shalt  }
0x7c: {  	_ =	shalt  }
0x7d: {  	_ =	shalt  }
0x7e: {  	_ =	shalt  }
0x7f: {  	_ =	shalt  }
0x80: {  	_ =	shalt  }
0x81: {  	_ =	shalt  }
0x82: {  	_ =	shalt  }
0x83: {  	_ =	shalt  }
0x84: {  	_ =	shalt  }
0x85: {  	_ =	shalt  }
0x86: {  	_ =	shalt  }
0x87: {  	_ =	shalt  }
.Lfunc_end0:
.L_simem_size_0:
called_computation.1_lowered:
.L_overlay_start_0:
0x88: {  	s2 =	sld [smem:$0x3FD9]  }
0x89: {  	s3 =	sld [smem:$0x3FFE];
	_ =	sdelay $0x1  }
0x8a: {  	s1 =	srdreg.scid  }
0x8b: {  	s0 =	sand.u32 $0x1, s1  }
0x8c: {  	s17 =	sshll.u32 s0, $0xA;
	s2 =	sadd.s32 s3, s2  }
0x8d: {  	s2 =	sadd.s32 s2, s17  }
0x8e: {  	[smem:$0x3FC3] =	sst s2  }
0x8f: {  	_ = 	snop  }
0x90: {  	s2 =	sld [smem:$0x3FD0];
	(tm) =	ssettm $0x1  }
0x91: {  	s18 =	sld [smem:$0x3FFB];
	_ =	sdelay $0x3  }
0x92: {  	_ =	strace s18  }
0x93: {  	s3 =	sld [smem:$0x3FFC];
	_ =	sdelay $0x3  }
0x94: {  	_ =	strace s3  }
0x95: {  	s3 =	sld [smem:$0x3FFD];
	_ =	sdelay $0x3  }
0x96: {  	_ =	strace s3  }
0x97: {  	_ =	strace $0x8FFFFFFF  }
0x98: {  	s19 =	sld [smem:$0x3FDB];
	_ =	sdelay $0x1  }
0x99: {  	s4 =	simm.s32 $_scs_section_size  }
0x9a: {  	s5 =	simm.s32 $_size__tile_overlayer_lowered;
	s6 =	simm.s32 $_tile_overlayer_lowered  }
0x9b: {  	s22 =	simm.s32 $0x1BFF;
	s21 =	sshll.u32 s6, $0x1;
	s3 =	sadd.s32 s4, s19  }
0x9c: {  	s7 =	simm.s32 $0x0;
	s20 =	sshll.u32 s5, $0x1;
	s5 =	sadd.s32 s21, s3  }
0x9d: {  	[timem:s7], [sflag:s22] =	dma.local [hbm:s5], s20  }
0x9e: {  	_ =	swait.ge [sflag:s22], s20  }
0x9f: {  	s4 =	ssub.s32 $0x0, s20;
	[sflag:s22] =	ssyncset.done $0x0  }
0xa0: {  	[sflag:s22] =	ssyncadd.s32 s4;
	_ =	sdelay $0x1  }
0xa1: {  	s23 =	simm.s32 $0x1B8B  }
0xa2: {  	_ =	swait.ge [sflag:s23], $0x1  }
0xa3: {  	[sflag:s23] =	ssyncset.done $0x0  }
0xa4: {  	s25 =	simm.s32 $0x1B8E;
	s24 =	sld [smem:$0x3FFE];
	[sflag:s23] =	ssyncadd.s32 $0xFFFFFFFF  }
0xa5: {  	s26 =	simm.s32 $execute0_lowered;
	[smem:$0x3FD2] =	sst s25  }
0xa6: {  	s5 =	sshll.u32 s26, $0x1;
	_ =	strace $0x80000046;
	[dreg:$0x1] =	wrdreg $0xFFFFFFFF  }
0xa7: {  	s28 =	simm.s32 $_size_execute0_lowered;
	s3 =	sadd.s32 s3, s5;
	[dreg:$0x0] =	wrdreg $0x0  }
0xa8: {  	s5 =	sshll.u32 s28, $0x1;
	[dreg:$0x2] =	wrdreg s3  }
0xa9: {  	[dreg:$0x3] =	wrdreg s5  }
0xaa: {  	[dreg:$0x4] =	wrdreg $0xC0  }
0xab: {  	_ =	task [dreg:s7], $0x5FFFF  }
0xac: {  	[dreg:$0x1] =	wrdreg $0xFFFFFFFF  }
0xad: {  	[dreg:$0x0] =	wrdreg $0x60  }
0xae: {  	[dreg:$0x2] =	wrdreg s2  }
0xaf: {  	[dreg:$0x3] =	wrdreg s24  }
0xb0: {  	[dreg:$0x4] =	wrdreg $0x9  }
0xb1: {  	_ =	task.clear_ibuf [dreg:s7], $0x5FFFF;
	_ =	strace $0x90000046  }
0xb2: {  	s29 =	simm.s32 $0x9;
	_ =	strace $0x80000048  }
0xb3: {  	_ =	swait.ge [sflag:s29], $0x1  }
0xb4: {  	[sflag:s29] =	ssyncadd.s32 $0xFFFFFFFF  }
0xb5: {  	_ =	strace $0x90000048  }
0xb6: {  	_ =	sfence  }
0xb7: {  	s30 =	sld [smem:$0x0];
	_ =	sdelay $0x2  }
0xb8: {  	s31 =	sshll.u32 s1, $0xD;
	s1 =	sshrl.u32 s1, $0x2  }
0xb9: {  	s3 =	sand.u32 $0x4000, s31;
	s1 =	sadd.s32 s1, s30  }
0xba: {  	s0 =	sor.u32 s3, s0;
	s1 =	sshll.u32 s1, $0x11  }
0xbb: {  	s0 =	sor.u32 s1, s0  }
0xbc: {  	s0 =	sadd.s32 $0x8F2B, s0  }
0xbd: {  	[sflag:s0] =	ssyncadd.remote.s32 $0x1  }
0xbe: {  	_ =	sfence.sel $0xFFFF  }
0xbf: {  	[dreg:$0x0] =	wrdreg $0xFFFFFFFF;
	(pc) =	sbr.abs _section_cstart, $3  }
0xc0: {  	[dreg:$0x1] =	wrdreg $0xFFFFFFFF  }
0xc1: {  	_ =	task.clear_ibuf [dreg:s7], $0x2FFFF;
	_ =	strace $0x9FFFFFFF  }
0xc2: {  	(tm) =	ssettm $0x7FFFFFFF  }
0xc3: {  	_ =	shalt  }
tec
execute0_lowered:
.L_overlay_start_1:
0x0: {  	(tag) =	ssettag $0x1  }
0x1: {  	s2 =	rddreg [dreg:$0x0]  }
0x2: {  	s1 =	srdreg.scid;
	s4 =	rddreg [dreg:$0x1]  }
0x3: {  	s3 =	simm.s32 $0x0;
	s9 =	sand.u32 $0x1, s1;
	s1 =	rddreg [dreg:$0x2]  }
0x4: {  	s31 =	simm.s32 $0x900;
	[smem:$0x7FF] =	sst s3  }
0x5: {  	s7 =	simm.s32 $0x1900;
	_ =	strace $0x80000047;
	[dreg:$0x4] =	wrdreg s31  }
0x6: {  	s8 =	simm.s32 $0x2100;
	[dreg:$0x6] =	wrdreg s7  }
0x7: {  	s10 =	simm.s32 $0x2900;
	[dreg:$0x7] =	wrdreg s8  }
0x8: {  	s11 =	simm.s32 $0x3100;
	[dreg:$0x8] =	wrdreg s10  }
0x9: {  	s12 =	simm.s32 $0x3900;
	[dreg:$0x9] =	wrdreg s11  }
0xa: {  	s13 =	simm.s32 $0x4100;
	[dreg:$0xa] =	wrdreg s12  }
0xb: {  	s14 =	simm.s32 $0x4900;
	[dreg:$0xb] =	wrdreg s13  }
0xc: {  	s15 =	simm.s32 $0x5100;
	[dreg:$0xc] =	wrdreg s14  }
0xd: {  	s16 =	simm.s32 $0x5900;
	[dreg:$0xd] =	wrdreg s15  }
0xe: {  	s17 =	simm.s32 $0x6100;
	[dreg:$0xe] =	wrdreg s16  }
0xf: {  	s18 =	simm.s32 $0x6900;
	[dreg:$0xf] =	wrdreg s17  }
0x10: {  	s19 =	simm.s32 $0x7100;
	[dreg:$0x10] =	wrdreg s18  }
0x11: {  	s20 =	simm.s32 $0x7900;
	[dreg:$0x11] =	wrdreg s19  }
0x12: {  	s21 =	simm.s32 $0x8100;
	[dreg:$0x12] =	wrdreg s20  }
0x13: {  	s22 =	simm.s32 $0x8900;
	[dreg:$0x13] =	wrdreg s21  }
0x14: {  	s23 =	simm.s32 $0x9100;
	[dreg:$0x14] =	wrdreg s22  }
0x15: {  	s24 =	simm.s32 $0x9900;
	[dreg:$0x15] =	wrdreg s23  }
0x16: {  	s25 =	simm.s32 $0xA100;
	[dreg:$0x16] =	wrdreg s24  }
0x17: {  	s26 =	simm.s32 $0xA900;
	[dreg:$0x17] =	wrdreg s25  }
0x18: {  	s28 =	simm.s32 $0xB100;
	[dreg:$0x18] =	wrdreg s26  }
0x19: {  	s29 =	simm.s32 $0xB900;
	[dreg:$0x19] =	wrdreg s28  }
0x1a: {  	s30 =	simm.s32 $0xC100;
	[dreg:$0x1a] =	wrdreg s29  }
0x1b: {  	[dreg:$0x1b] =	wrdreg s30;
	s31 =	simm.s32 $0xC900  }
0x1c: {  	s7 =	simm.s32 $0xD900;
	[dreg:$0x1c] =	wrdreg s31  }
0x1d: {  	s8 =	simm.s32 $0xEA00;
	[dreg:$0x1e] =	wrdreg s7  }
0x1e: {  	s10 =	simm.s32 $0xF200;
	[dreg:$0x1f] =	wrdreg s8  }
0x1f: {  	s11 =	simm.s32 $0xFA00;
	[smem:$0x7E4] =	sst s10  }
0x20: {  	s12 =	simm.s32 $0x10200;
	[smem:$0x7E5] =	sst s11  }
0x21: {  	s13 =	simm.s32 $0x10A00;
	[smem:$0x7E6] =	sst s12  }
0x22: {  	s14 =	simm.s32 $0x11200;
	[smem:$0x7E7] =	sst s13  }
0x23: {  	s15 =	simm.s32 $0x11A00;
	[smem:$0x7E8] =	sst s14  }
0x24: {  	s16 =	simm.s32 $0x12200;
	[smem:$0x7E9] =	sst s15  }
0x25: {  	s0 =	stileid.u32;
	s18 =	simm.s32 $0x12A00;
	[smem:$0x7EA] =	sst s16  }
0x26: {  	s5 =	smul.u32 $0x1C0000, s0;
	s19 =	simm.s32 $0x13200;
	[smem:$0x7EB] =	sst s18  }
0x27: {  	s6 =	smul.u32 $0xE0000, s9;
	s20 =	simm.s32 $0x13A00;
	[smem:$0x7EC] =	sst s19  }
0x28: {  	s17 =	ssub.s32 $0x2, s9;
	s22 =	simm.s32 $0x14200;
	[smem:$0x7ED] =	sst s20  }
0x29: {  	s21 =	sshll.u32 s0, $0xD;
	s24 =	simm.s32 $0x15200;
	[smem:$0x7EE] =	sst s22  }
0x2a: {  	s23 =	sshll.u32 s9, $0xC;
	s25 =	simm.s32 $0x15A00;
	[smem:$0x7F0] =	sst s24  }
0x2b: {  	s26 =	simm.s32 $0x16200;
	s28 =	simm.s32 $0x16A00;
	[smem:$0x7F1] =	sst s25  }
0x2c: {  	s29 =	simm.s32 $0x17200;
	s9 =	sshll.u32 s9, $0xB;
	[smem:$0x7F2] =	sst s26  }
0x2d: {  	s30 =	simm.s32 $0x17A00;
	s5 =	sadd.s32 s5, s4;
	[smem:$0x7F3] =	sst s28  }
0x2e: {  	s4 =	sadd.s32 $0x1400, s4;
	s7 =	sshrl.u32 s17, $0x1;
	[smem:$0x7F4] =	sst s29  }
0x2f: {  	s10 =	simm.s32 $0x14A00;
	s11 =	sshll.u32 s0, $0xC;
	[smem:$0x7F5] =	sst s30  }
0x30: {  	s31 =	simm.s32 $0x18200;
	s12 =	simm.s32 $0x18A00;
	s13 =	simm.s32 $0x19200  }
0x31: {  	s14 =	simm.s32 $0x19A00;
	s15 =	simm.s32 $0x1A200;
	[smem:$0x7EF] =	sst s10  }
0x32: {  	s16 =	simm.s32 $0x1AA00;
	s18 =	simm.s32 $0x1BA00;
	[smem:$0x7F6] =	sst s31  }
0x33: {  	s19 =	simm.s32 $0x3;
	s20 =	simm.s32 $0x6;
	[smem:$0x7F7] =	sst s12  }
0x34: {  	s5 =	sadd.s32 s6, s5;
	s6 =	simm.s32 $0x1100;
	[smem:$0x7F8] =	sst s13  }
0x35: {  	s8 =	ssub.s32 s17, s7;
	s9 =	sor.u32 s9, s11;
	[smem:$0x7F9] =	sst s14  }
0x36: {  	s10 =	simm.s32 $0x80;
	s11 =	simm.s32 $0x400;
	[smem:$0x7FA] =	sst s15  }
0x37: {  	s12 =	simm.s32 $0xE100;
	s13 =	simm.s32 $0x1;
	[smem:$0x7FB] =	sst s16  }
0x38: {  	s14 =	simm.s32 $0x100;
	s15 =	simm.s32 $0x2;
	[smem:$0x7FD] =	sst s18  }
0x39: {  	s17 =	simm.s32 $0x1B200;
	s16 =	simm.s32 $0x4;
	[dreg:$0x5] =	wrdreg s6  }
0x3a: {  	s18 =	simm.s32 $0x5;
	s5 =	sadd.s32 $0x3400, s5;
	[smem:$0x7FC] =	sst s17  }
0x3b: {  	v2 =	vlaneseq.u32;
	s6 =	simm.s32 $0xD100;
	[dreg:$0x3] =	wrdreg s5;
	s5 =	sor.u32 s23, s21  }
0x3c: {  	vm0 =	vmmov $0xffff;
	v1 =	vshrl.u32 v2, $0x3;
	s8 =	smax.u32 s8, $0x1;
	[dreg:$0x1d] =	wrdreg s6;
	s6 =	sadd.s32 s2, s5  }
0x3d: {  	v0 =	vand.u32 $0x7, v2;
	v2 =	vor.u32 $0x8, v2;
	v1 =	vmul.u32 $0x8, v1;
	s17 =	simm.s32 $0xE200;
	s21 =	simm.s32 $0x0;
	s7 =	sadd.s32 $0x10, s6  }
.LBB2_1:
0x3e: {  	[tilespmem:s3], [sflag:$0x1] =	stream.strided.gather [hbm4b:s6+s10], $0x100, s11, s10, $0x38;
	[tilespmem:$0x1C200] =	vst v63  }
0x3f: {  	s22 =	smov.u32 s5;
	s23 =	smov.u32 s9;
	s24 =	simm.s32 $0x0  }
0x40: {  	[tilespmem:s12], [sflag:$0x4] =	stream.strided.gather [hbm4b:s7+s10], $0x100, s11, s10, $0x38;
	[tilespmem:$0x1C200] =	vst v63  }
.LBB2_2:
0x41: {  	_ =	swait.ge [sflag:s13], $0x100  }
0x42: {  	p1 =	seq.s32 s24, $0x0;
	[sflag:s13] =	ssyncset.done $0x0  }
0x43: {  	s25 =	simm.s32 @!p1 $0x3;
	[sflag:s13] =	ssyncadd.s32 $0xFFFFFF00  }
0x44: {  	_ =	swait.ge @!p1 [sflag:s25], $0xE000  }
0x45: {  	[sflag:s25] =	ssyncset.done @!p1 $0x0  }
0x46: {  	[sflag:s25] =	ssyncadd.s32 @!p1 $0xFFFF2000  }
0x47: {  	v3 =	vld [tilespmem:$0x0];
	_ =	sdelay $0x4  }
0x48: {  	v4 =	vshll.u32 v3, $0x1  }
0x49: {  	v3 =	vand.u32 $0x7, v3;
	v4 =	vand.u32 $0xFFFFFFF0, v4  }
0x4a: {  	v3 =	vor.u32 v3, v4  }
0x4b: {  	v4 =	vperm.xlane v3, v0;
	_ =	sdelay $0x1  }
0x4c: {  	v3 =	vperm.xlane v3, v2;
	v4 =	vadd.s32 v1, v4;
	_ =	sdelay $0x1  }
0x4d: {  	v3 =	vadd.s32 v1, v3;
	_ =	sdelay $0x2  }
0x4e: {  	[tilespmem:s14], [sflag:$0x2] =	stream.indirect_vreg.gather [hbm4b:s4+s3], $0x80, v4, vm0, $0xb8;
	[tilespmem:$0x1C200] =	vst v63  }
0x4f: {  	s28 =	rddreg [dreg:$0x4]  }
0x50: {  	[tilespmem:s28], [sflag:$0x2] =	stream.indirect_vreg.gather [hbm4b:s4+s3], $0x80, v3, vm0, $0xb8;
	[tilespmem:$0x1C200] =	vst v63  }
0x51: {  	v3 =	vld [tilespmem:$0x10];
	_ =	sdelay $0x4  }
0x52: {  	v33 =	vshll.u32 v3, $0x1  }
0x53: {  	v3 =	vand.u32 $0x7, v3;
	v4 =	vand.u32 $0xFFFFFFF0, v33  }
0x54: {  	v3 =	vor.u32 v3, v4  }
0x55: {  	v4 =	vperm.xlane v3, v0;
	_ =	sdelay $0x1  }
0x56: {  	v3 =	vperm.xlane v3, v2;
	v4 =	vadd.s32 v1, v4;
	_ =	sdelay $0x1  }
0x57: {  	v3 =	vadd.s32 v1, v3;
	_ =	sdelay $0x1  }
0x58: {  	s29 =	rddreg [dreg:$0x5]  }
0x59: {  	[tilespmem:s29], [sflag:$0x2] =	stream.indirect_vreg.gather [hbm4b:s4+s3], $0x80, v4, vm0, $0xb8;
	[tilespmem:$0x1C200] =	vst v63  }
0x5a: {  	s26 =	rddreg [dreg:$0x6]  }
0x5b: {  	[tilespmem:s26], [sflag:$0x2] =	stream.indirect_vreg.gather [hbm4b:s4+s3], $0x80, v3, vm0, $0xb8;
	[tilespmem:$0x1C200] =	vst v63  }
0x5c: {  	v3 =	vld [tilespmem:$0x20];
	_ =	sdelay $0x4  }
0x5d: {  	v34 =	vshll.u32 v3, $0x1  }
0x5e: {  	v3 =	vand.u32 $0x7, v3;
	v4 =	vand.u32 $0xFFFFFFF0, v34  }
0x5f: {  	v3 =	vor.u32 v3, v4  }
0x60: {  	v4 =	vperm.xlane v3, v0;
	_ =	sdelay $0x1  }
0x61: {  	v3 =	vperm.xlane v3, v2;
	v4 =	vadd.s32 v1, v4;
	_ =	sdelay $0x1  }
0x62: {  	v3 =	vadd.s32 v1, v3;
	_ =	sdelay $0x1  }
0x63: {  	s30 =	rddreg [dreg:$0x7]  }
0x64: {  	[tilespmem:s30], [sflag:$0x2] =	stream.indirect_vreg.gather [hbm4b:s4+s3], $0x80, v4, vm0, $0xb8;
	[tilespmem:$0x1C200] =	vst v63  }
0x65: {  	s31 =	rddreg [dreg:$0x8]  }
0x66: {  	[tilespmem:s31], [sflag:$0x2] =	stream.indirect_vreg.gather [hbm4b:s4+s3], $0x80, v3, vm0, $0xb8;
	[tilespmem:$0x1C200] =	vst v63  }
0x67: {  	v3 =	vld.msk [tilespmem:$0x30], $0xff;
	_ =	sdelay $0x4  }
0x68: {  	v35 =	vshll.u32 v3, $0x1  }
0x69: {  	v3 =	vand.u32 $0x7, v3;
	v4 =	vand.u32 $0xFFFFFFF0, v35  }
0x6a: {  	v3 =	vor.u32 v3, v4  }
0x6b: {  	v3 =	vperm.xlane v3, v0;
	_ =	sdelay $0x1  }
0x6c: {  	v3 =	vadd.s32 v1, v3;
	_ =	sdelay $0x3  }
0x6d: {  	s26 =	rddreg [dreg:$0x9]  }
0x6e: {  	[tilespmem:s26], [sflag:$0x2] =	stream.indirect_vreg.gather [hbm4b:s4+s3], $0x80, v3, vm0, $0xb8;
	[tilespmem:$0x1C200] =	vst v63  }
0x6f: {  	v3 =	vld [tilespmem:$0x40];
	_ =	sdelay $0x4  }
0x70: {  	v36 =	vshll.u32 v3, $0x1  }
0x71: {  	v3 =	vand.u32 $0x7, v3;
	v4 =	vand.u32 $0xFFFFFFF0, v36  }
0x72: {  	v3 =	vor.u32 v3, v4  }
0x73: {  	v4 =	vperm.xlane v3, v0;
	_ =	sdelay $0x1  }
0x74: {  	v3 =	vperm.xlane v3, v2;
	v4 =	vadd.s32 v1, v4;
	_ =	sdelay $0x1  }
0x75: {  	v3 =	vadd.s32 v1, v3;
	_ =	sdelay $0x1  }
0x76: {  	s28 =	rddreg [dreg:$0xa]  }
0x77: {  	[tilespmem:s28], [sflag:$0x2] =	stream.indirect_vreg.gather [hbm4b:s4+s3], $0x80, v4, vm0, $0xb8;
	[tilespmem:$0x1C200] =	vst v63  }
0x78: {  	s29 =	rddreg [dreg:$0xb]  }
0x79: {  	[tilespmem:s29], [sflag:$0x2] =	stream.indirect_vreg.gather [hbm4b:s4+s3], $0x80, v3, vm0, $0xb8;
	[tilespmem:$0x1C200] =	vst v63  }
0x7a: {  	v3 =	vld [tilespmem:$0x50];
	_ =	sdelay $0x4  }
0x7b: {  	v37 =	vshll.u32 v3, $0x1  }
0x7c: {  	v3 =	vand.u32 $0x7, v3;
	v4 =	vand.u32 $0xFFFFFFF0, v37  }
0x7d: {  	v3 =	vor.u32 v3, v4  }
0x7e: {  	v4 =	vperm.xlane v3, v0;
	_ =	sdelay $0x1  }
0x7f: {  	v3 =	vperm.xlane v3, v2;
	v4 =	vadd.s32 v1, v4;
	_ =	sdelay $0x1  }
0x80: {  	v3 =	vadd.s32 v1, v3;
	_ =	sdelay $0x1  }
0x81: {  	s30 =	rddreg [dreg:$0xc]  }
0x82: {  	[tilespmem:s30], [sflag:$0x2] =	stream.indirect_vreg.gather [hbm4b:s4+s3], $0x80, v4, vm0, $0xb8;
	[tilespmem:$0x1C200] =	vst v63  }
0x83: {  	s31 =	rddreg [dreg:$0xd]  }
0x84: {  	[tilespmem:s31], [sflag:$0x2] =	stream.indirect_vreg.gather [hbm4b:s4+s3], $0x80, v3, vm0, $0xb8;
	[tilespmem:$0x1C200] =	vst v63  }
0x85: {  	v3 =	vld [tilespmem:$0x60];
	_ =	sdelay $0x4  }
0x86: {  	v38 =	vshll.u32 v3, $0x1  }
0x87: {  	v3 =	vand.u32 $0x7, v3;
	v4 =	vand.u32 $0xFFFFFFF0, v38  }
0x88: {  	v3 =	vor.u32 v3, v4  }
0x89: {  	v4 =	vperm.xlane v3, v0;
	_ =	sdelay $0x1  }
0x8a: {  	v3 =	vperm.xlane v3, v2;
	v4 =	vadd.s32 v1, v4;
	_ =	sdelay $0x1  }
0x8b: {  	v3 =	vadd.s32 v1, v3;
	_ =	sdelay $0x1  }
0x8c: {  	s26 =	rddreg [dreg:$0xe]  }
0x8d: {  	[tilespmem:s26], [sflag:$0x2] =	stream.indirect_vreg.gather [hbm4b:s4+s3], $0x80, v4, vm0, $0xb8;
	[tilespmem:$0x1C200] =	vst v63  }
0x8e: {  	s28 =	rddreg [dreg:$0xf]  }
0x8f: {  	[tilespmem:s28], [sflag:$0x2] =	stream.indirect_vreg.gather [hbm4b:s4+s3], $0x80, v3, vm0, $0xb8;
	[tilespmem:$0x1C200] =	vst v63  }
0x90: {  	v3 =	vld.msk [tilespmem:$0x70], $0xff;
	_ =	sdelay $0x4  }
0x91: {  	v39 =	vshll.u32 v3, $0x1  }
0x92: {  	v3 =	vand.u32 $0x7, v3;
	v4 =	vand.u32 $0xFFFFFFF0, v39  }
0x93: {  	v3 =	vor.u32 v3, v4  }
0x94: {  	v3 =	vperm.xlane v3, v0;
	_ =	sdelay $0x1  }
0x95: {  	v3 =	vadd.s32 v1, v3;
	_ =	sdelay $0x3  }
0x96: {  	s29 =	rddreg [dreg:$0x10]  }
0x97: {  	[tilespmem:s29], [sflag:$0x2] =	stream.indirect_vreg.gather [hbm4b:s4+s3], $0x80, v3, vm0, $0xb8;
	[tilespmem:$0x1C200] =	vst v63  }
0x98: {  	v3 =	vld [tilespmem:$0x80];
	_ =	sdelay $0x4  }
0x99: {  	v40 =	vshll.u32 v3, $0x1  }
0x9a: {  	v3 =	vand.u32 $0x7, v3;
	v4 =	vand.u32 $0xFFFFFFF0, v40  }
0x9b: {  	v3 =	vor.u32 v3, v4  }
0x9c: {  	v4 =	vperm.xlane v3, v0;
	_ =	sdelay $0x1  }
0x9d: {  	v3 =	vperm.xlane v3, v2;
	v4 =	vadd.s32 v1, v4;
	_ =	sdelay $0x1  }
0x9e: {  	v3 =	vadd.s32 v1, v3;
	_ =	sdelay $0x1  }
0x9f: {  	s30 =	rddreg [dreg:$0x11]  }
0xa0: {  	[tilespmem:s30], [sflag:$0x2] =	stream.indirect_vreg.gather [hbm4b:s4+s3], $0x80, v4, vm0, $0xb8;
	[tilespmem:$0x1C200] =	vst v63  }
0xa1: {  	s31 =	rddreg [dreg:$0x12]  }
0xa2: {  	[tilespmem:s31], [sflag:$0x2] =	stream.indirect_vreg.gather [hbm4b:s4+s3], $0x80, v3, vm0, $0xb8;
	[tilespmem:$0x1C200] =	vst v63  }
0xa3: {  	v3 =	vld [tilespmem:$0x90];
	_ =	sdelay $0x4  }
0xa4: {  	v41 =	vshll.u32 v3, $0x1  }
0xa5: {  	v3 =	vand.u32 $0x7, v3;
	v4 =	vand.u32 $0xFFFFFFF0, v41  }
0xa6: {  	v3 =	vor.u32 v3, v4  }
0xa7: {  	v4 =	vperm.xlane v3, v0;
	_ =	sdelay $0x1  }
0xa8: {  	v3 =	vperm.xlane v3, v2;
	v4 =	vadd.s32 v1, v4;
	_ =	sdelay $0x1  }
0xa9: {  	v3 =	vadd.s32 v1, v3;
	_ =	sdelay $0x1  }
0xaa: {  	s28 =	rddreg [dreg:$0x13]  }
0xab: {  	[tilespmem:s28], [sflag:$0x2] =	stream.indirect_vreg.gather [hbm4b:s4+s3], $0x80, v4, vm0, $0xb8;
	[tilespmem:$0x1C200] =	vst v63  }
0xac: {  	s29 =	rddreg [dreg:$0x14]  }
0xad: {  	[tilespmem:s29], [sflag:$0x2] =	stream.indirect_vreg.gather [hbm4b:s4+s3], $0x80, v3, vm0, $0xb8;
	[tilespmem:$0x1C200] =	vst v63  }
0xae: {  	v3 =	vld [tilespmem:$0xA0];
	_ =	sdelay $0x4  }
0xaf: {  	v42 =	vshll.u32 v3, $0x1  }
0xb0: {  	v3 =	vand.u32 $0x7, v3;
	v4 =	vand.u32 $0xFFFFFFF0, v42  }
0xb1: {  	v3 =	vor.u32 v3, v4  }
0xb2: {  	v4 =	vperm.xlane v3, v0;
	_ =	sdelay $0x1  }
0xb3: {  	v3 =	vperm.xlane v3, v2;
	v4 =	vadd.s32 v1, v4;
	_ =	sdelay $0x1  }
0xb4: {  	v3 =	vadd.s32 v1, v3;
	_ =	sdelay $0x1  }
0xb5: {  	s30 =	rddreg [dreg:$0x15]  }
0xb6: {  	[tilespmem:s30], [sflag:$0x2] =	stream.indirect_vreg.gather [hbm4b:s4+s3], $0x80, v4, vm0, $0xb8;
	[tilespmem:$0x1C200] =	vst v63  }
0xb7: {  	s31 =	rddreg [dreg:$0x16]  }
0xb8: {  	[tilespmem:s31], [sflag:$0x2] =	stream.indirect_vreg.gather [hbm4b:s4+s3], $0x80, v3, vm0, $0xb8;
	[tilespmem:$0x1C200] =	vst v63  }
0xb9: {  	v3 =	vld.msk [tilespmem:$0xB0], $0xff;
	_ =	sdelay $0x4  }
0xba: {  	v43 =	vshll.u32 v3, $0x1  }
0xbb: {  	v3 =	vand.u32 $0x7, v3;
	v4 =	vand.u32 $0xFFFFFFF0, v43  }
0xbc: {  	v3 =	vor.u32 v3, v4  }
0xbd: {  	v3 =	vperm.xlane v3, v0;
	_ =	sdelay $0x1  }
0xbe: {  	v3 =	vadd.s32 v1, v3;
	_ =	sdelay $0x3  }
0xbf: {  	s26 =	rddreg [dreg:$0x17]  }
0xc0: {  	[tilespmem:s26], [sflag:$0x2] =	stream.indirect_vreg.gather [hbm4b:s4+s3], $0x80, v3, vm0, $0xb8;
	[tilespmem:$0x1C200] =	vst v63  }
0xc1: {  	v3 =	vld [tilespmem:$0xC0];
	_ =	sdelay $0x4  }
0xc2: {  	v44 =	vshll.u32 v3, $0x1  }
0xc3: {  	v3 =	vand.u32 $0x7, v3;
	v4 =	vand.u32 $0xFFFFFFF0, v44  }
0xc4: {  	v3 =	vor.u32 v3, v4  }
0xc5: {  	v4 =	vperm.xlane v3, v0;
	_ =	sdelay $0x1  }
0xc6: {  	v3 =	vperm.xlane v3, v2;
	v4 =	vadd.s32 v1, v4;
	_ =	sdelay $0x1  }
0xc7: {  	v3 =	vadd.s32 v1, v3;
	_ =	sdelay $0x1  }
0xc8: {  	s28 =	rddreg [dreg:$0x18]  }
0xc9: {  	[tilespmem:s28], [sflag:$0x2] =	stream.indirect_vreg.gather [hbm4b:s4+s3], $0x80, v4, vm0, $0xb8;
	[tilespmem:$0x1C200] =	vst v63  }
0xca: {  	s29 =	rddreg [dreg:$0x19]  }
0xcb: {  	[tilespmem:s29], [sflag:$0x2] =	stream.indirect_vreg.gather [hbm4b:s4+s3], $0x80, v3, vm0, $0xb8;
	[tilespmem:$0x1C200] =	vst v63  }
0xcc: {  	v3 =	vld [tilespmem:$0xD0];
	_ =	sdelay $0x4  }
0xcd: {  	v45 =	vshll.u32 v3, $0x1  }
0xce: {  	v3 =	vand.u32 $0x7, v3;
	v4 =	vand.u32 $0xFFFFFFF0, v45  }
0xcf: {  	v3 =	vor.u32 v3, v4  }
0xd0: {  	v4 =	vperm.xlane v3, v0;
	_ =	sdelay $0x1  }
0xd1: {  	v3 =	vperm.xlane v3, v2;
	v4 =	vadd.s32 v1, v4;
	_ =	sdelay $0x1  }
0xd2: {  	v3 =	vadd.s32 v1, v3;
	_ =	sdelay $0x1  }
0xd3: {  	s30 =	rddreg [dreg:$0x1a]  }
0xd4: {  	[tilespmem:s30], [sflag:$0x2] =	stream.indirect_vreg.gather [hbm4b:s4+s3], $0x80, v4, vm0, $0xb8;
	[tilespmem:$0x1C200] =	vst v63  }
0xd5: {  	s31 =	rddreg [dreg:$0x1b]  }
0xd6: {  	[tilespmem:s31], [sflag:$0x2] =	stream.indirect_vreg.gather [hbm4b:s4+s3], $0x80, v3, vm0, $0xb8;
	[tilespmem:$0x1C200] =	vst v63  }
0xd7: {  	v3 =	vld [tilespmem:$0xE0];
	_ =	sdelay $0x4  }
0xd8: {  	v46 =	vshll.u32 v3, $0x1  }
0xd9: {  	v3 =	vand.u32 $0x7, v3;
	v4 =	vand.u32 $0xFFFFFFF0, v46  }
0xda: {  	v3 =	vor.u32 v3, v4  }
0xdb: {  	v4 =	vperm.xlane v3, v0;
	_ =	sdelay $0x1  }
0xdc: {  	v3 =	vperm.xlane v3, v2;
	v4 =	vadd.s32 v1, v4;
	_ =	sdelay $0x1  }
0xdd: {  	v3 =	vadd.s32 v1, v3;
	_ =	sdelay $0x1  }
0xde: {  	s26 =	rddreg [dreg:$0x1c]  }
0xdf: {  	[tilespmem:s26], [sflag:$0x2] =	stream.indirect_vreg.gather [hbm4b:s4+s3], $0x80, v4, vm0, $0xb8;
	[tilespmem:$0x1C200] =	vst v63  }
0xe0: {  	s28 =	rddreg [dreg:$0x1d]  }
0xe1: {  	[tilespmem:s28], [sflag:$0x2] =	stream.indirect_vreg.gather [hbm4b:s4+s3], $0x80, v3, vm0, $0xb8;
	[tilespmem:$0x1C200] =	vst v63  }
0xe2: {  	v3 =	vld.msk [tilespmem:$0xF0], $0xff;
	_ =	sdelay $0x4  }
0xe3: {  	v47 =	vshll.u32 v3, $0x1  }
0xe4: {  	v3 =	vand.u32 $0x7, v3;
	v4 =	vand.u32 $0xFFFFFFF0, v47  }
0xe5: {  	v3 =	vor.u32 v3, v4  }
0xe6: {  	v3 =	vperm.xlane v3, v0;
	_ =	sdelay $0x1  }
0xe7: {  	v3 =	vadd.s32 v1, v3;
	_ =	sdelay $0x3  }
0xe8: {  	s29 =	rddreg [dreg:$0x1e]  }
0xe9: {  	[tilespmem:s29], [sflag:$0x2] =	stream.indirect_vreg.gather [hbm4b:s4+s3], $0x80, v3, vm0, $0xb8;
	[tilespmem:$0x1C200] =	vst v63  }
0xea: {  	_ =	swait.ge [sflag:s15], $0x3800  }
0xeb: {  	[sflag:s15] =	ssyncset.done $0x0  }
0xec: {  	[sflag:s15] =	ssyncadd.s32 $0xFFFFC800  }
0xed: {  	_ =	swait.ge [sflag:s15], $0x3800  }
0xee: {  	[sflag:s15] =	ssyncset.done $0x0  }
0xef: {  	p0 =	seq.s32 s24, $0xDC800;
	[sflag:s15] =	ssyncadd.s32 $0xFFFFC800  }
0xf0: {  	s25 =	sadd.s32 @!p0 $0x20, s23;
	_ =	swait.ge [sflag:s15], $0x3800  }
0xf1: {  	s25 =	sand.u32 @!p0 $0x60, s25;
	[sflag:s15] =	ssyncset.done $0x0  }
0xf2: {  	s25 =	sadd.s32 @!p0 s2, s25;
	s26 =	sadd.s32 @!p0 $0x40, s22;
	[sflag:s15] =	ssyncadd.s32 $0xFFFFC800  }
0xf3: {  	s30 =	simm.s32 @!p0 $0x0;
	s26 =	sand.u32 @!p0 $0xFFFFF00, s26;
	_ =	swait.ge [sflag:s15], $0x3800  }
0xf4: {  	s28 =	sadd.s32 @!p0 s26, s25;
	s25 =	simm.s32 @!p0 $0x80;
	[sflag:s15] =	ssyncset.done $0x0  }
0xf5: {  	s26 =	simm.s32 @!p0 $0x400;
	s29 =	rddreg [dreg:$0x3];
	[sflag:s15] =	ssyncadd.s32 $0xFFFFC800  }
0xf6: {  	[tilespmem:s30], [sflag:$0x1] =	stream.strided.gather @!p0 [hbm4b:s28+s25], $0x100, s26, s25, $0x38;
	[tilespmem:$0x1C200] =	vst v63  }
0xf7: {  	s28 =	sadd.s32 s24, s29  }
0xf8: {  	[hbm4b:s28+s3] =	stream.linear.scatter [tilespmem:s14], [sflag:$0x3], $0xE000, $0x38;
	[tilespmem:$0x1C200] =	vst v63  }
0xf9: {  	_ =	swait.ge [sflag:s16], $0x100  }
0xfa: {  	[sflag:s16] =	ssyncset.done $0x0  }
0xfb: {  	s29 =	simm.s32 @!p1 $0x6;
	[sflag:s16] =	ssyncadd.s32 $0xFFFFFF00  }
0xfc: {  	_ =	swait.ge @!p1 [sflag:s29], $0xE000  }
0xfd: {  	[sflag:s29] =	ssyncset.done @!p1 $0x0  }
0xfe: {  	[sflag:s29] =	ssyncadd.s32 @!p1 $0xFFFF2000  }
0xff: {  	v3 =	vld [tilespmem:$0xE100];
	_ =	sdelay $0x4  }
0x100: {  	v48 =	vshll.u32 v3, $0x1  }
0x101: {  	v3 =	vand.u32 $0x7, v3;
	v4 =	vand.u32 $0xFFFFFFF0, v48  }
0x102: {  	v3 =	vor.u32 v3, v4  }
0x103: {  	v4 =	vperm.xlane v3, v0;
	_ =	sdelay $0x1  }
0x104: {  	v3 =	vperm.xlane v3, v2;
	v4 =	vadd.s32 v1, v4;
	_ =	sdelay $0x1  }
0x105: {  	v3 =	vadd.s32 v1, v3;
	_ =	sdelay $0x2  }
0x106: {  	[tilespmem:s17], [sflag:$0x5] =	stream.indirect_vreg.gather [hbm4b:s4+s3], $0x80, v4, vm0, $0xb8;
	[tilespmem:$0x1C200] =	vst v63  }
0x107: {  	s30 =	rddreg [dreg:$0x1f]  }
0x108: {  	[tilespmem:s30], [sflag:$0x5] =	stream.indirect_vreg.gather [hbm4b:s4+s3], $0x80, v3, vm0, $0xb8;
	[tilespmem:$0x1C200] =	vst v63  }
0x109: {  	v3 =	vld [tilespmem:$0xE110];
	_ =	sdelay $0x4  }
0x10a: {  	v49 =	vshll.u32 v3, $0x1  }
0x10b: {  	v3 =	vand.u32 $0x7, v3;
	v4 =	vand.u32 $0xFFFFFFF0, v49  }
0x10c: {  	v3 =	vor.u32 v3, v4  }
0x10d: {  	v4 =	vperm.xlane v3, v0;
	_ =	sdelay $0x1  }
0x10e: {  	v3 =	vperm.xlane v3, v2;
	v4 =	vadd.s32 v1, v4;
	_ =	sdelay $0x1  }
0x10f: {  	s29 =	sld [smem:$0x7E4];
	v3 =	vadd.s32 v1, v3;
	_ =	sdelay $0x1  }
0x110: {  	s31 =	sld [smem:$0x7E5]  }
0x111: {  	[tilespmem:s29], [sflag:$0x5] =	stream.indirect_vreg.gather [hbm4b:s4+s3], $0x80, v4, vm0, $0xb8;
	[tilespmem:$0x1C200] =	vst v63  }
0x112: {  	_ = 	snop  }
0x113: {  	[tilespmem:s31], [sflag:$0x5] =	stream.indirect_vreg.gather [hbm4b:s4+s3], $0x80, v3, vm0, $0xb8;
	[tilespmem:$0x1C200] =	vst v63  }
0x114: {  	v3 =	vld [tilespmem:$0xE120];
	_ =	sdelay $0x4  }
0x115: {  	v50 =	vshll.u32 v3, $0x1  }
0x116: {  	v3 =	vand.u32 $0x7, v3;
	v4 =	vand.u32 $0xFFFFFFF0, v50  }
0x117: {  	v3 =	vor.u32 v3, v4  }
0x118: {  	v4 =	vperm.xlane v3, v0;
	_ =	sdelay $0x1  }
0x119: {  	v3 =	vperm.xlane v3, v2;
	v4 =	vadd.s32 v1, v4;
	_ =	sdelay $0x1  }
0x11a: {  	s29 =	sld [smem:$0x7E6];
	v3 =	vadd.s32 v1, v3;
	_ =	sdelay $0x1  }
0x11b: {  	s31 =	sld [smem:$0x7E7]  }
0x11c: {  	[tilespmem:s29], [sflag:$0x5] =	stream.indirect_vreg.gather [hbm4b:s4+s3], $0x80, v4, vm0, $0xb8;
	[tilespmem:$0x1C200] =	vst v63  }
0x11d: {  	_ = 	snop  }
0x11e: {  	[tilespmem:s31], [sflag:$0x5] =	stream.indirect_vreg.gather [hbm4b:s4+s3], $0x80, v3, vm0, $0xb8;
	[tilespmem:$0x1C200] =	vst v63  }
0x11f: {  	v3 =	vld.msk [tilespmem:$0xE130], $0xff;
	_ =	sdelay $0x4  }
0x120: {  	v51 =	vshll.u32 v3, $0x1  }
0x121: {  	v3 =	vand.u32 $0x7, v3;
	v4 =	vand.u32 $0xFFFFFFF0, v51  }
0x122: {  	v3 =	vor.u32 v3, v4  }
0x123: {  	v3 =	vperm.xlane v3, v0;
	_ =	sdelay $0x1  }
0x124: {  	v3 =	vadd.s32 v1, v3;
	_ =	sdelay $0x1  }
0x125: {  	s30 =	sld [smem:$0x7E8];
	_ =	sdelay $0x2  }
0x126: {  	[tilespmem:s30], [sflag:$0x5] =	stream.indirect_vreg.gather [hbm4b:s4+s3], $0x80, v3, vm0, $0xb8;
	[tilespmem:$0x1C200] =	vst v63  }
0x127: {  	v3 =	vld [tilespmem:$0xE140];
	_ =	sdelay $0x4  }
0x128: {  	v52 =	vshll.u32 v3, $0x1  }
0x129: {  	v3 =	vand.u32 $0x7, v3;
	v4 =	vand.u32 $0xFFFFFFF0, v52  }
0x12a: {  	v3 =	vor.u32 v3, v4  }
0x12b: {  	v4 =	vperm.xlane v3, v0;
	_ =	sdelay $0x1  }
0x12c: {  	v3 =	vperm.xlane v3, v2;
	v4 =	vadd.s32 v1, v4;
	_ =	sdelay $0x1  }
0x12d: {  	s29 =	sld [smem:$0x7E9];
	v3 =	vadd.s32 v1, v3;
	_ =	sdelay $0x1  }
0x12e: {  	s31 =	sld [smem:$0x7EA]  }
0x12f: {  	[tilespmem:s29], [sflag:$0x5] =	stream.indirect_vreg.gather [hbm4b:s4+s3], $0x80, v4, vm0, $0xb8;
	[tilespmem:$0x1C200] =	vst v63  }
0x130: {  	_ = 	snop  }
0x131: {  	[tilespmem:s31], [sflag:$0x5] =	stream.indirect_vreg.gather [hbm4b:s4+s3], $0x80, v3, vm0, $0xb8;
	[tilespmem:$0x1C200] =	vst v63  }
0x132: {  	v3 =	vld [tilespmem:$0xE150];
	_ =	sdelay $0x4  }
0x133: {  	v53 =	vshll.u32 v3, $0x1  }
0x134: {  	v3 =	vand.u32 $0x7, v3;
	v4 =	vand.u32 $0xFFFFFFF0, v53  }
0x135: {  	v3 =	vor.u32 v3, v4  }
0x136: {  	v4 =	vperm.xlane v3, v0;
	_ =	sdelay $0x1  }
0x137: {  	v3 =	vperm.xlane v3, v2;
	v4 =	vadd.s32 v1, v4;
	_ =	sdelay $0x1  }
0x138: {  	s29 =	sld [smem:$0x7EB];
	v3 =	vadd.s32 v1, v3;
	_ =	sdelay $0x1  }
0x139: {  	s31 =	sld [smem:$0x7EC]  }
0x13a: {  	[tilespmem:s29], [sflag:$0x5] =	stream.indirect_vreg.gather [hbm4b:s4+s3], $0x80, v4, vm0, $0xb8;
	[tilespmem:$0x1C200] =	vst v63  }
0x13b: {  	_ = 	snop  }
0x13c: {  	[tilespmem:s31], [sflag:$0x5] =	stream.indirect_vreg.gather [hbm4b:s4+s3], $0x80, v3, vm0, $0xb8;
	[tilespmem:$0x1C200] =	vst v63  }
0x13d: {  	v3 =	vld [tilespmem:$0xE160];
	_ =	sdelay $0x4  }
0x13e: {  	v54 =	vshll.u32 v3, $0x1  }
0x13f: {  	v3 =	vand.u32 $0x7, v3;
	v4 =	vand.u32 $0xFFFFFFF0, v54  }
0x140: {  	v3 =	vor.u32 v3, v4  }
0x141: {  	v4 =	vperm.xlane v3, v0;
	_ =	sdelay $0x1  }
0x142: {  	v3 =	vperm.xlane v3, v2;
	v4 =	vadd.s32 v1, v4;
	_ =	sdelay $0x1  }
0x143: {  	s29 =	sld [smem:$0x7ED];
	v3 =	vadd.s32 v1, v3;
	_ =	sdelay $0x1  }
0x144: {  	s31 =	sld [smem:$0x7EE]  }
0x145: {  	[tilespmem:s29], [sflag:$0x5] =	stream.indirect_vreg.gather [hbm4b:s4+s3], $0x80, v4, vm0, $0xb8;
	[tilespmem:$0x1C200] =	vst v63  }
0x146: {  	_ = 	snop  }
0x147: {  	[tilespmem:s31], [sflag:$0x5] =	stream.indirect_vreg.gather [hbm4b:s4+s3], $0x80, v3, vm0, $0xb8;
	[tilespmem:$0x1C200] =	vst v63  }
0x148: {  	v3 =	vld.msk [tilespmem:$0xE170], $0xff;
	_ =	sdelay $0x4  }
0x149: {  	v55 =	vshll.u32 v3, $0x1  }
0x14a: {  	v3 =	vand.u32 $0x7, v3;
	v4 =	vand.u32 $0xFFFFFFF0, v55  }
0x14b: {  	v3 =	vor.u32 v3, v4  }
0x14c: {  	v3 =	vperm.xlane v3, v0;
	_ =	sdelay $0x1  }
0x14d: {  	v3 =	vadd.s32 v1, v3;
	_ =	sdelay $0x1  }
0x14e: {  	s30 =	sld [smem:$0x7EF];
	_ =	sdelay $0x2  }
0x14f: {  	[tilespmem:s30], [sflag:$0x5] =	stream.indirect_vreg.gather [hbm4b:s4+s3], $0x80, v3, vm0, $0xb8;
	[tilespmem:$0x1C200] =	vst v63  }
0x150: {  	v3 =	vld [tilespmem:$0xE180];
	_ =	sdelay $0x4  }
0x151: {  	v56 =	vshll.u32 v3, $0x1  }
0x152: {  	v3 =	vand.u32 $0x7, v3;
	v4 =	vand.u32 $0xFFFFFFF0, v56  }
0x153: {  	v3 =	vor.u32 v3, v4  }
0x154: {  	v4 =	vperm.xlane v3, v0;
	_ =	sdelay $0x1  }
0x155: {  	v3 =	vperm.xlane v3, v2;
	v4 =	vadd.s32 v1, v4;
	_ =	sdelay $0x1  }
0x156: {  	s29 =	sld [smem:$0x7F0];
	v3 =	vadd.s32 v1, v3;
	_ =	sdelay $0x1  }
0x157: {  	s31 =	sld [smem:$0x7F1]  }
0x158: {  	[tilespmem:s29], [sflag:$0x5] =	stream.indirect_vreg.gather [hbm4b:s4+s3], $0x80, v4, vm0, $0xb8;
	[tilespmem:$0x1C200] =	vst v63  }
0x159: {  	_ = 	snop  }
0x15a: {  	[tilespmem:s31], [sflag:$0x5] =	stream.indirect_vreg.gather [hbm4b:s4+s3], $0x80, v3, vm0, $0xb8;
	[tilespmem:$0x1C200] =	vst v63  }
0x15b: {  	v3 =	vld [tilespmem:$0xE190];
	_ =	sdelay $0x4  }
0x15c: {  	v57 =	vshll.u32 v3, $0x1  }
0x15d: {  	v3 =	vand.u32 $0x7, v3;
	v4 =	vand.u32 $0xFFFFFFF0, v57  }
0x15e: {  	v3 =	vor.u32 v3, v4  }
0x15f: {  	v4 =	vperm.xlane v3, v0;
	_ =	sdelay $0x1  }
0x160: {  	v3 =	vperm.xlane v3, v2;
	v4 =	vadd.s32 v1, v4;
	_ =	sdelay $0x1  }
0x161: {  	s29 =	sld [smem:$0x7F2];
	v3 =	vadd.s32 v1, v3;
	_ =	sdelay $0x1  }
0x162: {  	s31 =	sld [smem:$0x7F3]  }
0x163: {  	[tilespmem:s29], [sflag:$0x5] =	stream.indirect_vreg.gather [hbm4b:s4+s3], $0x80, v4, vm0, $0xb8;
	[tilespmem:$0x1C200] =	vst v63  }
0x164: {  	_ = 	snop  }
0x165: {  	[tilespmem:s31], [sflag:$0x5] =	stream.indirect_vreg.gather [hbm4b:s4+s3], $0x80, v3, vm0, $0xb8;
	[tilespmem:$0x1C200] =	vst v63  }
0x166: {  	v3 =	vld [tilespmem:$0xE1A0];
	_ =	sdelay $0x4  }
0x167: {  	v58 =	vshll.u32 v3, $0x1  }
0x168: {  	v3 =	vand.u32 $0x7, v3;
	v4 =	vand.u32 $0xFFFFFFF0, v58  }
0x169: {  	v3 =	vor.u32 v3, v4  }
0x16a: {  	v4 =	vperm.xlane v3, v0;
	_ =	sdelay $0x1  }
0x16b: {  	v3 =	vperm.xlane v3, v2;
	v4 =	vadd.s32 v1, v4;
	_ =	sdelay $0x1  }
0x16c: {  	s29 =	sld [smem:$0x7F4];
	v3 =	vadd.s32 v1, v3;
	_ =	sdelay $0x1  }
0x16d: {  	s31 =	sld [smem:$0x7F5]  }
0x16e: {  	[tilespmem:s29], [sflag:$0x5] =	stream.indirect_vreg.gather [hbm4b:s4+s3], $0x80, v4, vm0, $0xb8;
	[tilespmem:$0x1C200] =	vst v63  }
0x16f: {  	_ = 	snop  }
0x170: {  	[tilespmem:s31], [sflag:$0x5] =	stream.indirect_vreg.gather [hbm4b:s4+s3], $0x80, v3, vm0, $0xb8;
	[tilespmem:$0x1C200] =	vst v63  }
0x171: {  	v3 =	vld.msk [tilespmem:$0xE1B0], $0xff;
	_ =	sdelay $0x4  }
0x172: {  	v59 =	vshll.u32 v3, $0x1  }
0x173: {  	v3 =	vand.u32 $0x7, v3;
	v4 =	vand.u32 $0xFFFFFFF0, v59  }
0x174: {  	v3 =	vor.u32 v3, v4  }
0x175: {  	v3 =	vperm.xlane v3, v0;
	_ =	sdelay $0x1  }
0x176: {  	v3 =	vadd.s32 v1, v3;
	_ =	sdelay $0x1  }
0x177: {  	s30 =	sld [smem:$0x7F6];
	_ =	sdelay $0x2  }
0x178: {  	[tilespmem:s30], [sflag:$0x5] =	stream.indirect_vreg.gather [hbm4b:s4+s3], $0x80, v3, vm0, $0xb8;
	[tilespmem:$0x1C200] =	vst v63  }
0x179: {  	v3 =	vld [tilespmem:$0xE1C0];
	_ =	sdelay $0x4  }
0x17a: {  	v60 =	vshll.u32 v3, $0x1  }
0x17b: {  	v3 =	vand.u32 $0x7, v3;
	v4 =	vand.u32 $0xFFFFFFF0, v60  }
0x17c: {  	v3 =	vor.u32 v3, v4  }
0x17d: {  	v4 =	vperm.xlane v3, v0;
	_ =	sdelay $0x1  }
0x17e: {  	v3 =	vperm.xlane v3, v2;
	v4 =	vadd.s32 v1, v4;
	_ =	sdelay $0x1  }
0x17f: {  	s29 =	sld [smem:$0x7F7];
	v3 =	vadd.s32 v1, v3;
	_ =	sdelay $0x1  }
0x180: {  	s31 =	sld [smem:$0x7F8]  }
0x181: {  	[tilespmem:s29], [sflag:$0x5] =	stream.indirect_vreg.gather [hbm4b:s4+s3], $0x80, v4, vm0, $0xb8;
	[tilespmem:$0x1C200] =	vst v63  }
0x182: {  	_ = 	snop  }
0x183: {  	[tilespmem:s31], [sflag:$0x5] =	stream.indirect_vreg.gather [hbm4b:s4+s3], $0x80, v3, vm0, $0xb8;
	[tilespmem:$0x1C200] =	vst v63  }
0x184: {  	v3 =	vld [tilespmem:$0xE1D0];
	_ =	sdelay $0x4  }
0x185: {  	v61 =	vshll.u32 v3, $0x1  }
0x186: {  	v3 =	vand.u32 $0x7, v3;
	v4 =	vand.u32 $0xFFFFFFF0, v61  }
0x187: {  	v3 =	vor.u32 v3, v4  }
0x188: {  	v4 =	vperm.xlane v3, v0;
	_ =	sdelay $0x1  }
0x189: {  	v3 =	vperm.xlane v3, v2;
	v4 =	vadd.s32 v1, v4;
	_ =	sdelay $0x1  }
0x18a: {  	s29 =	sld [smem:$0x7F9];
	v3 =	vadd.s32 v1, v3;
	_ =	sdelay $0x1  }
0x18b: {  	s31 =	sld [smem:$0x7FA]  }
0x18c: {  	[tilespmem:s29], [sflag:$0x5] =	stream.indirect_vreg.gather [hbm4b:s4+s3], $0x80, v4, vm0, $0xb8;
	[tilespmem:$0x1C200] =	vst v63  }
0x18d: {  	_ = 	snop  }
0x18e: {  	[tilespmem:s31], [sflag:$0x5] =	stream.indirect_vreg.gather [hbm4b:s4+s3], $0x80, v3, vm0, $0xb8;
	[tilespmem:$0x1C200] =	vst v63  }
0x18f: {  	v3 =	vld [tilespmem:$0xE1E0];
	_ =	sdelay $0x4  }
0x190: {  	v62 =	vshll.u32 v3, $0x1  }
0x191: {  	v3 =	vand.u32 $0x7, v3;
	v4 =	vand.u32 $0xFFFFFFF0, v62  }
0x192: {  	v3 =	vor.u32 v3, v4  }
0x193: {  	v4 =	vperm.xlane v3, v0;
	_ =	sdelay $0x1  }
0x194: {  	v3 =	vperm.xlane v3, v2;
	v4 =	vadd.s32 v1, v4;
	_ =	sdelay $0x1  }
0x195: {  	s29 =	sld [smem:$0x7FB];
	v3 =	vadd.s32 v1, v3;
	_ =	sdelay $0x1  }
0x196: {  	s31 =	sld [smem:$0x7FC]  }
0x197: {  	[tilespmem:s29], [sflag:$0x5] =	stream.indirect_vreg.gather [hbm4b:s4+s3], $0x80, v4, vm0, $0xb8;
	[tilespmem:$0x1C200] =	vst v63  }
0x198: {  	_ = 	snop  }
0x199: {  	[tilespmem:s31], [sflag:$0x5] =	stream.indirect_vreg.gather [hbm4b:s4+s3], $0x80, v3, vm0, $0xb8;
	[tilespmem:$0x1C200] =	vst v63  }
0x19a: {  	v3 =	vld.msk [tilespmem:$0xE1F0], $0xff;
	_ =	sdelay $0x4  }
0x19b: {  	v63 =	vshll.u32 v3, $0x1  }
0x19c: {  	v3 =	vand.u32 $0x7, v3;
	v4 =	vand.u32 $0xFFFFFFF0, v63  }
0x19d: {  	v3 =	vor.u32 v3, v4  }
0x19e: {  	v3 =	vperm.xlane v3, v0;
	_ =	sdelay $0x1  }
0x19f: {  	v3 =	vadd.s32 v1, v3;
	_ =	sdelay $0x1  }
0x1a0: {  	s30 =	sld [smem:$0x7FD];
	_ =	sdelay $0x2  }
0x1a1: {  	[tilespmem:s30], [sflag:$0x5] =	stream.indirect_vreg.gather [hbm4b:s4+s3], $0x80, v3, vm0, $0xb8;
	[tilespmem:$0x1C200] =	vst v63  }
0x1a2: {  	_ =	swait.ge [sflag:s18], $0x3800  }
0x1a3: {  	[sflag:s18] =	ssyncset.done $0x0  }
0x1a4: {  	[sflag:s18] =	ssyncadd.s32 $0xFFFFC800  }
0x1a5: {  	_ =	swait.ge [sflag:s18], $0x3800  }
0x1a6: {  	[sflag:s18] =	ssyncset.done $0x0  }
0x1a7: {  	[sflag:s18] =	ssyncadd.s32 $0xFFFFC800  }
0x1a8: {  	_ =	swait.ge [sflag:s18], $0x3800  }
0x1a9: {  	[sflag:s18] =	ssyncset.done $0x0  }
0x1aa: {  	s24 =	sadd.s32 $0x3800, s24;
	s29 =	sadd.s32 @!p0 $0x30, s23;
	[sflag:s18] =	ssyncadd.s32 $0xFFFFC800  }
0x1ab: {  	s29 =	sand.u32 @!p0 $0x70, s29;
	s30 =	sadd.s32 @!p0 $0x60, s22;
	_ =	swait.ge [sflag:s18], $0x3800  }
0x1ac: {  	s29 =	sadd.s32 @!p0 s2, s29;
	s30 =	sand.u32 @!p0 $0xFFFFF00, s30;
	[sflag:s18] =	ssyncset.done $0x0  }
0x1ad: {  	s29 =	sadd.s32 @!p0 s30, s29;
	s30 =	simm.s32 @!p0 $0xE100;
	[sflag:s18] =	ssyncadd.s32 $0xFFFFC800  }
0x1ae: {  	[tilespmem:s30], [sflag:$0x4] =	stream.strided.gather @!p0 [hbm4b:s29+s25], $0x100, s26, s25, $0x38;
	[tilespmem:$0x1C200] =	vst v63  }
0x1af: {  	p0 =	sne.s32 s24, $0xE0000  }
.Ltmp0:
0x1b0: {  	_ = 	snop;
	(pc) =	sbr.rel @p0 .LBB2_2-.Ltmp0, $3  }
0x1b1: {  	_ =	sdelay $0x1  }
0x1b2: {  	s23 =	sadd.s32 $0x20, s23;
	s31 =	sadd.s32 $0x1C00, s28;
	s22 =	sadd.s32 $0x40, s22  }
0x1b3: {  	[hbm4b:s31+s3] =	stream.linear.scatter [tilespmem:s17], [sflag:$0x6], $0xE000, $0x38;
	[tilespmem:$0x1C200] =	vst v63  }
0x1b4: {  	s21 =	sadd.s32 $0x1, s21  }
0x1b5: {  	_ =	swait.ge [sflag:s19], $0xE000;
	p0 =	sne.s32 s21, s8  }
.Ltmp1:
0x1b6: {  	[sflag:s19] =	ssyncset.done $0x0;
	(pc) =	sbr.rel @p0 .LBB2_1-.Ltmp1, $4  }
0x1b7: {  	[sflag:s19] =	ssyncadd.s32 $0xFFFF2000  }
0x1b8: {  	_ =	swait.ge [sflag:s20], $0xE000  }
0x1b9: {  	[sflag:s20] =	ssyncset.done $0x0  }
0x1ba: {  	[sflag:s20] =	ssyncadd.s32 $0xFFFF2000  }
0x1bb: {  	_ =	sfence.sel $0x180000  }
0x1bc: {  	[bflag:$0x0] =	sbarrier.arrive $0xFFFF  }
0x1bd: {  	p0 =	sne.s32 s0, $0x0;
	_ =	strace $0x90000047  }
0x1be: {  	s0 =	sadd.s32 @!p0 $0x100000, s1;
	[bflag:$0x2] =	sbarrier.arrive $0xFFFF  }
0x1bf: {  	[sflag:s0] =	ssyncadd.tile.s32 @!p0 $0x1;
	_ =	shalt  }
.Lfunc_end2:
_tile_overlayer_lowered:
.L_overlay_start_2:
0x1c0: {  	(tag) =	ssettag $0x2  }
0x1c1: {  	s0 =	rddreg [dreg:$0x0];
	s2 =	stileid.u32  }
0x1c2: {  	s1 =	rddreg [dreg:$0x1];
	p0 =	sne.s32 s2, $0x0  }
0x1c3: {  	s3 =	rddreg [dreg:$0x2];
	[bflag:$0x3] =	sbarrier.arrive $0xFFFF;
	s2 =	simm.s32 @!p0 $0x1C07  }
0x1c4: {  	[timem:s3], [sflag:s2] =	dma.local @!p0 [hbm:s0], s1  }
0x1c5: {  	s0 =	simm.s32 @!p0 $0x7  }
0x1c6: {  	_ =	swait.ge @!p0 [sflag:s0], s1  }
0x1c7: {  	s1 =	ssub.s32 @!p0 $0x0, s1;
	[sflag:s0] =	ssyncset.done @!p0 $0x0  }
0x1c8: {  	[sflag:s0] =	ssyncadd.s32 @!p0 s1  }
0x1c9: {  	[bflag:$0x3] =	sbarrier.arrive $0xFFFF  }
0x1ca: {  	_ =	shalt  }

// kernel: sparse-core-data-format-call.cloned.1.call-start
scs
called_computation_lowered:
.L_overlay_start_0:
0x0: {  	s2 =	sld [smem:$0x3FD9]  }
0x1: {  	s3 =	sld [smem:$0x3FFE];
	_ =	sdelay $0x1  }
0x2: {  	s1 =	srdreg.scid  }
0x3: {  	s0 =	sand.u32 $0x1, s1  }
0x4: {  	s18 =	sshll.u32 s0, $0xA;
	s2 =	sadd.s32 s3, s2  }
0x5: {  	s2 =	sadd.s32 s2, s18  }
0x6: {  	[smem:$0x3FC3] =	sst s2  }
0x7: {  	_ = 	snop  }
0x8: {  	s2 =	sld [smem:$0x3FD0];
	(tm) =	ssettm $0x1  }
0x9: {  	s19 =	sld [smem:$0x3FFB];
	_ =	sdelay $0x3  }
0xa: {  	_ =	strace s19  }
0xb: {  	s3 =	sld [smem:$0x3FFC];
	_ =	sdelay $0x3  }
0xc: {  	_ =	strace s3  }
0xd: {  	s3 =	sld [smem:$0x3FFD];
	_ =	sdelay $0x3  }
0xe: {  	_ =	strace s3  }
0xf: {  	_ =	strace $0x8FFFFFFF  }
0x10: {  	s20 =	sld [smem:$0x3FDB];
	_ =	sdelay $0x1  }
0x11: {  	s4 =	simm.s32 $_scs_section_size  }
0x12: {  	s5 =	simm.s32 $_size__tile_overlayer_lowered;
	s6 =	simm.s32 $_tile_overlayer_lowered  }
0x13: {  	s23 =	simm.s32 $0x1BFF;
	s22 =	sshll.u32 s6, $0x1;
	s3 =	sadd.s32 s4, s20  }
0x14: {  	s7 =	simm.s32 $0x0;
	s21 =	sshll.u32 s5, $0x1;
	s5 =	sadd.s32 s22, s3  }
0x15: {  	[timem:s7], [sflag:s23] =	dma.local [hbm:s5], s21  }
0x16: {  	_ =	swait.ge [sflag:s23], s21  }
0x17: {  	s4 =	ssub.s32 $0x0, s21;
	[sflag:s23] =	ssyncset.done $0x0  }
0x18: {  	[sflag:s23] =	ssyncadd.s32 s4;
	_ =	sdelay $0x1  }
0x19: {  	s24 =	simm.s32 $0x1B8B  }
0x1a: {  	_ =	swait.ge [sflag:s24], $0x1  }
0x1b: {  	[sflag:s24] =	ssyncset.done $0x0  }
0x1c: {  	s26 =	simm.s32 $0x1B8E;
	s25 =	sld [smem:$0x3FFE];
	[sflag:s24] =	ssyncadd.s32 $0xFFFFFFFF  }
0x1d: {  	s27 =	simm.s32 $execute0_lowered;
	[smem:$0x3FD2] =	sst s26  }
0x1e: {  	s5 =	sshll.u32 s27, $0x1;
	_ =	strace $0x80000049;
	[dreg:$0x1] =	wrdreg $0xFFFFFFFF  }
0x1f: {  	s28 =	simm.s32 $_size_execute0_lowered;
	s3 =	sadd.s32 s3, s5;
	[dreg:$0x0] =	wrdreg $0x0  }
0x20: {  	s5 =	sshll.u32 s28, $0x1;
	[dreg:$0x2] =	wrdreg s3  }
0x21: {  	[dreg:$0x3] =	wrdreg s5  }
0x22: {  	[dreg:$0x4] =	wrdreg $0xC0  }
0x23: {  	_ =	task [dreg:s7], $0x5FFFF  }
0x24: {  	[dreg:$0x1] =	wrdreg $0xFFFFFFFF  }
0x25: {  	[dreg:$0x0] =	wrdreg $0x60  }
0x26: {  	[dreg:$0x2] =	wrdreg s25  }
0x27: {  	[dreg:$0x3] =	wrdreg s2  }
0x28: {  	[dreg:$0x4] =	wrdreg $0x9  }
0x29: {  	_ =	task.clear_ibuf [dreg:s7], $0x5FFFF;
	_ =	strace $0x90000049  }
0x2a: {  	s29 =	simm.s32 $0x9;
	_ =	strace $0x8000004B  }
0x2b: {  	_ =	swait.ge [sflag:s29], $0x1  }
0x2c: {  	[sflag:s29] =	ssyncadd.s32 $0xFFFFFFFF  }
0x2d: {  	_ =	strace $0x9000004B  }
0x2e: {  	_ =	sfence  }
0x2f: {  	s30 =	sld [smem:$0x0];
	_ =	sdelay $0x2  }
0x30: {  	s31 =	sshll.u32 s1, $0xD;
	s1 =	sshrl.u32 s1, $0x2  }
0x31: {  	s3 =	sand.u32 $0x4000, s31;
	s1 =	sadd.s32 s1, s30  }
0x32: {  	s0 =	sor.u32 s3, s0;
	s1 =	sshll.u32 s1, $0x11  }
0x33: {  	s0 =	sor.u32 s1, s0  }
0x34: {  	s0 =	sadd.s32 $0x8F2B, s0  }
0x35: {  	[sflag:s0] =	ssyncadd.remote.s32 $0x1  }
0x36: {  	_ =	sfence.sel $0xFFFF  }
0x37: {  	[dreg:$0x0] =	wrdreg $0xFFFFFFFF;
	(pc) =	sbr.abs _section_cstart, $3  }
0x38: {  	[dreg:$0x1] =	wrdreg $0xFFFFFFFF  }
0x39: {  	_ =	task.clear_ibuf [dreg:s7], $0x2FFFF;
	_ =	strace $0x9FFFFFFF  }
0x3a: {  	(tm) =	ssettm $0x7FFFFFFF  }
0x3b: {  	_ =	shalt  }
tec
execute0_lowered:
.L_overlay_start_1:
0x0: {  	(tag) =	ssettag $0x1  }
0x1: {  	s0 =	srdreg.scid  }
0x2: {  	s1 =	sshll.u32 s0, $0x4  }
0x3: {  	s6 =	rddreg [dreg:$0x0];
	s0 =	stileid.u32;
	s1 =	sand.u32 $0x10, s1  }
0x4: {  	s3 =	rddreg [dreg:$0x1];
	s1 =	sor.u32 s0, s1  }
0x5: {  	s5 =	simm.s32 $0x1;
	s31 =	simm.s32 $0x2;
	s2 =	sshll.u32 s1, $0x7  }
0x6: {  	s14 =	simm.s32 $0x0;
	s8 =	simm.s32 $0x800;
	s4 =	ssub.s32 $0x4000, s2  }
0x7: {  	s9 =	simm.s32 $0x0;
	s15 =	simm.s32 $0x0;
	s30 =	sand.u32 $0xF80, s4  }
0x8: {  	s16 =	simm.s32 $0x0;
	s10 =	simm.s32 $0x0;
	p0 =	sne.s32 s30, $0x0  }
.Ltmp0:
0x9: {  	s7 =	sshrl.u32 s4, $0xC;
	s5 =	simm.s32 @!p0 $0x0;
	(pc) =	sbr.rel .LBB1_1-.Ltmp0, $4  }
0xa: {  	s11 =	simm.s32 $0x0;
	s1 =	rddreg [dreg:$0x2];
	s5 =	sadd.s32 s5, s7  }
0xb: {  	_ =	strace $0x8000004A;
	s4 =	simm.s32 $0x1;
	s5 =	smul.u32 $0x64, s5  }
0xc: {  	s13 =	simm.s32 $0x0;
	s6 =	sadd.s32 $0x3400, s6;
	[sflag:s4] =	ssyncpa.u1 $0x0  }
0xd: {  	s12 =	smov.u32 s2;
	[sflag:s31] =	ssyncpa.u1 $0x0;
	s7 =	sor.u32 $0x1, s5  }
.LBB1_4:
0xe: {  	_ =	sdelay $0x3  }
0xf: {  	[tilespmem:v0+s19+$0xFFFFFFD0 ss:$0x1] =	vst.idx.msk $0xffff, v6  }
0x10: {  	v56 =	vld.idx.msk [tilespmem:v1+s18+$0x0 ss:$0x1], $0xffff;
	[tilespmem:v0+s19+$0xFFFFFFE0 ss:$0x1] =	vst.idx.msk $0xffff, v4  }
0x11: {  	v57 =	vld.idx.msk [tilespmem:v1+s18+$0xFFFFFF90 ss:$0x1], $0xffff;
	[tilespmem:v0+s19+$0xFFFFFFF0 ss:$0x1] =	vst.idx.msk $0xffff, v2  }
0x12: {  	v58 =	vld.idx.msk [tilespmem:v1+s18+$0xFFFFFFA0 ss:$0x1], $0xffff;
	[tilespmem:v0+s19+$0x0 ss:$0x1] =	vst.idx.msk $0xffff, v3  }
0x13: {  	v59 =	vld.idx.msk [tilespmem:v1+s18+$0xFFFFFFB0 ss:$0x1], $0xffff;
	[tilespmem:v0+s19+$0x10 ss:$0x1] =	vst.idx.msk $0xffff, v5  }
0x14: {  	v60 =	vld.idx.msk [tilespmem:v1+s18+$0xFFFFFFC0 ss:$0x1], $0xffff;
	[tilespmem:v0+s19+$0x20 ss:$0x1] =	vst.idx.msk $0xffff, v7  }
0x15: {  	v61 =	vld.idx.msk [tilespmem:v1+s18+$0xFFFFFFD0 ss:$0x1], $0xffff;
	s27 =	sshll.u32 s16, $0x8;
	[tilespmem:v0+s18+$0x30 ss:$0x1] =	vst.idx.msk $0xffff, v56  }
0x16: {  	s20 =	sshll.u32 s14, $0x3;
	v62 =	vld.idx.msk [tilespmem:v1+s18+$0xFFFFFFE0 ss:$0x1], $0xffff;
	s30 =	sand.u32 $0x78, s14;
	s15 =	sshll.u32 s15, $0x13;
	[tilespmem:v0+s18+$0xFFFFFFC0 ss:$0x1] =	vst.idx.msk $0xffff, v57  }
0x17: {  	s28 =	sshll.u32 s16, $0x7;
	v63 =	vld.idx.msk [tilespmem:v1+s18+$0xFFFFFFF0 ss:$0x1], $0xffff;
	s19 =	sand.u32 $0x3FF800, s27;
	s20 =	sand.u32 $0x3FFC00, s20;
	[tilespmem:v0+s18+$0xFFFFFFD0 ss:$0x1] =	vst.idx.msk $0xffff, v58  }
0x18: {  	s29 =	sand.u32 $0x300, s28;
	s16 =	sand.u32 $0x80, s28;
	s19 =	sadd.s32 s19, s20;
	[tilespmem:v0+s18+$0xFFFFFFE0 ss:$0x1] =	vst.idx.msk $0xffff, v59  }
0x19: {  	s31 =	sand.u32 $0x7, s14;
	s16 =	sor.u32 s16, s30;
	s19 =	sor.u32 s29, s19;
	[tilespmem:v0+s18+$0xFFFFFFF0 ss:$0x1] =	vst.idx.msk $0xffff, v60  }
0x1a: {  	s15 =	sadd.s32 s3, s15;
	s16 =	sshrl.u32 s16, $0x3;
	s19 =	sshrl.u32 s19, $0x3;
	[tilespmem:v0+s18+$0x0 ss:$0x1] =	vst.idx.msk $0xffff, v61  }
0x1b: {  	s14 =	sshll.u32 s31, $0x12;
	s15 =	sadd.s32 s16, s15;
	[tilespmem:v0+s18+$0x10 ss:$0x1] =	vst.idx.msk $0xffff, v62;
	s19 =	sand.u32 $0x7FFE0, s19  }
0x1c: {  	s14 =	sor.u32 $0x400, s14;
	[tilespmem:v0+s18+$0x20 ss:$0x1] =	vst.idx.msk $0xffff, v63;
	s15 =	sadd.s32 s19, s15  }
0x1d: {  	[hbm4b:s15+s14] =	stream.strided.scatter [tilespmem:s17], [sflag:$0x2], $0x4000, s8, s14, $0x38;
	[tilespmem:$0x10000] =	vst v63  }
.LBB1_5:
0x1e: {  	s17 =	sadd.s32 $0x80, s10  }
0x1f: {  	s14 =	simm.s32 $0x1;
	p1 =	sgt.s32 s17, $0xFF  }
0x20: {  	s14 =	simm.s32 @!p1 $0x0  }
0x21: {  	s18 =	sadd.s32 s14, s11  }
0x22: {  	s20 =	smov.u32 s12;
	s14 =	sadd.s32 $0x1000, s12;
	p2 =	sgt.s32 s18, $0x31  }
0x23: {  	s20 =	smov.u32 @p2 s14  }
0x24: {  	p0 =	slt.u32 s13, $0x2;
	s17 =	simm.s32 @p1 $0x0;
	p1 =	sgt.s32 s20, $0x3FFF  }
0x25: {  	s19 =	simm.s32 @!p0 $0x2;
	s20 =	smov.u32 @p1 s2;
	p1 =	sne.s32 s13, s7  }
.Ltmp1:
0x26: {  	_ =	swait.ge @!p0 [sflag:s19], $0x4000;
	(pc) =	sbr.rel @!p1 .LBB1_6-.Ltmp1, $4  }
0x27: {  	s15 =	smov.u32 s11;
	[sflag:s19] =	ssyncset.done @!p0 $0x0  }
0x28: {  	s16 =	smov.u32 s12;
	s9 =	sadd.s32 $0x4000, s9;
	[sflag:s19] =	ssyncadd.s32 @!p0 $0xFFFFC000  }
0x29: {  	s18 =	simm.s32 @p2 $0x0;
	s14 =	smov.u32 s10;
	s10 =	smov.u32 s17  }
0x2a: {  	s11 =	smov.u32 s18;
	s13 =	sadd.s32 $0x1, s13;
	s12 =	smov.u32 s20  }
.LBB1_1:
0x2b: {  	p0 =	sge.u32 s13, s5  }
0x2c: {  	s17 =	sshll.u32 @!p0 s11, $0x8;
	s18 =	sshll.u32 @!p0 s10, $0x3  }
0x2d: {  	s19 =	sshll.u32 @!p0 s11, $0x7;
	s17 =	sand.u32 @!p0 $0xFFFFF800, s17;
	s18 =	sand.u32 @!p0 $0xFFFFFC00, s18  }
0x2e: {  	s17 =	sadd.s32 @!p0 s17, s18;
	s18 =	sand.u32 @!p0 $0x300, s19  }
0x2f: {  	s17 =	sor.u32 @!p0 s18, s17  }
0x30: {  	s17 =	sshrl.u32 @!p0 s17, $0x8  }
0x31: {  	s31 =	sadd.s32 $0xFFFFFFFF, s13;
	s18 =	smulhi.u32 @!p0 $0x4924925, s17  }
0x32: {  	s20 =	sxor.u32 @!p0 $0xFFFFFFFF, s13;
	s21 =	sand.u32 @!p0 $0x78, s10;
	s22 =	smul.u32 @!p0 $0x700, s12  }
0x33: {  	s20 =	sshll.u32 @!p0 s20, $0xE;
	s19 =	sand.u32 @!p0 $0x80, s19;
	s18 =	smul.u32 @!p0 $0x38, s18  }
0x34: {  	s20 =	sand.u32 @!p0 $0x4000, s20;
	s19 =	sor.u32 @!p0 s21, s19;
	s21 =	sand.u32 @!p0 $0x7, s10  }
0x35: {  	s17 =	ssub.s32 @!p0 s17, s18;
	s18 =	sshrl.u32 @!p0 s19, $0x3;
	s19 =	sadd.s32 @!p0 s6, s22  }
0x36: {  	s17 =	sshll.u32 @!p0 s17, $0x5;
	s18 =	sadd.s32 @!p0 s18, s19;
	s19 =	sshll.u32 @!p0 s21, $0x12  }
0x37: {  	s17 =	sadd.s32 @!p0 s17, s18;
	s18 =	sor.u32 @!p0 $0x80, s19;
	s19 =	simm.s32 @!p0 $0x3800  }
0x38: {  	[tilespmem:s20], [sflag:$0x1] =	stream.strided.gather @!p0 [hbm4b:s17+s18], $0x4000, s19, s18, $0x38;
	[tilespmem:$0x10000] =	vst v63  }
0x39: {  	p0 =	sge.u32 s31, s5  }
.Ltmp2:
0x3a: {  	_ = 	snop;
	(pc) =	sbr.rel @p0 .LBB1_5-.Ltmp2, $1  }
0x3b: {  	_ =	sdelay $0x3  }
0x3c: {  	s17 =	sand.u32 $0x4000, s9  }
0x3d: {  	s18 =	sor.u32 $0x70, s17  }
0x3e: {  	v1 =	vmov s18;
	_ =	sdelay $0x1  }
0x3f: {  	_ =	swait.ge [sflag:s4], $0x4000  }
0x40: {  	[sflag:s4] =	ssyncset.done $0x0  }
0x41: {  	s19 =	simm.s32 $0x0;
	[sflag:s4] =	ssyncadd.s32 $0xFFFFC000  }
0x42: {  	s17 =	sor.u32 $0x8040, s17;
	v7 =	vld.idx.msk [tilespmem:v1+s19+$0x0 ss:$0x1], $0xffff  }
0x43: {  	v0 =	vmov s17;
	v8 =	vld.idx.msk [tilespmem:v1+s19+$0xFFFFFF90 ss:$0x1], $0xffff  }
0x44: {  	v6 =	vld.idx.msk [tilespmem:v1+s19+$0xFFFFFFA0 ss:$0x1], $0xffff  }
0x45: {  	v4 =	vld.idx.msk [tilespmem:v1+s19+$0xFFFFFFB0 ss:$0x1], $0xffff  }
0x46: {  	v2 =	vld.idx.msk [tilespmem:v1+s19+$0xFFFFFFC0 ss:$0x1], $0xffff  }
0x47: {  	s31 =	sshll.u32 s13, $0xE;
	v3 =	vld.idx.msk [tilespmem:v1+s19+$0xFFFFFFD0 ss:$0x1], $0xffff  }
0x48: {  	s17 =	sand.u32 $0x4000, s31;
	v5 =	vld.idx.msk [tilespmem:v1+s19+$0xFFFFFFE0 ss:$0x1], $0xffff;
	[tilespmem:v0+s19+$0x30 ss:$0x1] =	vst.idx.msk $0xffff, v7  }
0x49: {  	s20 =	simm.s32 $0x400;
	s18 =	simm.s32 $0x80;
	s17 =	sor.u32 $0x8000, s17;
	[tilespmem:v0+s19+$0xFFFFFFC0 ss:$0x1] =	vst.idx.msk $0xffff, v8;
	v7 =	vld.idx.msk [tilespmem:v1+s19+$0xFFFFFFF0 ss:$0x1], $0xffff  }
.LBB1_3:
0x4a: {  	p0 =	sne.s32 s20, $0xFE00;
	v8 =	vld.idx.msk [tilespmem:v1+s18+$0x0 ss:$0x1], $0xffff;
	[tilespmem:v0+s19+$0xFFFFFFD0 ss:$0x1] =	vst.idx.msk $0xffff, v6  }
0x4b: {  	v9 =	vld.idx.msk [tilespmem:v1+s18+$0xFFFFFF90 ss:$0x1], $0xffff;
	[tilespmem:v0+s19+$0xFFFFFFE0 ss:$0x1] =	vst.idx.msk $0xffff, v4  }
0x4c: {  	v6 =	vld.idx.msk [tilespmem:v1+s18+$0xFFFFFFA0 ss:$0x1], $0xffff;
	[tilespmem:v0+s19+$0xFFFFFFF0 ss:$0x1] =	vst.idx.msk $0xffff, v2  }
.Ltmp3:
0x4d: {  	v4 =	vld.idx.msk [tilespmem:v1+s18+$0xFFFFFFB0 ss:$0x1], $0xffff;
	[tilespmem:v0+s19+$0x0 ss:$0x1] =	vst.idx.msk $0xffff, v3;
	(pc) =	sbr.rel @p0 .LBB1_3-.Ltmp3, $4  }
0x4e: {  	v2 =	vld.idx.msk [tilespmem:v1+s18+$0xFFFFFFC0 ss:$0x1], $0xffff;
	[tilespmem:v0+s19+$0x10 ss:$0x1] =	vst.idx.msk $0xffff, v5  }
0x4f: {  	v3 =	vld.idx.msk [tilespmem:v1+s18+$0xFFFFFFD0 ss:$0x1], $0xffff;
	[tilespmem:v0+s19+$0x20 ss:$0x1] =	vst.idx.msk $0xffff, v7;
	s19 =	smov.u32 s18  }
0x50: {  	v5 =	vld.idx.msk [tilespmem:v1+s19+$0xFFFFFFE0 ss:$0x1], $0xffff;
	[tilespmem:v0+s19+$0x30 ss:$0x1] =	vst.idx.msk $0xffff, v8  }
0x51: {  	s18 =	sshra.s32 s20, $0x2;
	s20 =	sadd.s32 $0x200, s20;
	[tilespmem:v0+s19+$0xFFFFFFC0 ss:$0x1] =	vst.idx.msk $0xffff, v9;
	v7 =	vld.idx.msk [tilespmem:v1+s19+$0xFFFFFFF0 ss:$0x1], $0xffff  }
.Ltmp4:
0x52: {  	_ = 	snop;
	(pc) =	sbr.rel .LBB1_4-.Ltmp4, $1  }
0x53: {  	_ =	sdelay $0x3  }
.LBB1_6:
0x54: {  	_ =	sfence.sel $0x180000  }
0x55: {  	s2 =	simm.s32 $0x1;
	[bflag:$0x0] =	sbarrier.arrive $0xFFFF  }
0x56: {  	s31 =	simm.s32 $0x2;
	[sflag:s2] =	ssyncpa.u1 $0x1  }
0x57: {  	[sflag:s31] =	ssyncpa.u1 $0x1  }
0x58: {  	p0 =	sne.s32 s0, $0x0;
	_ =	strace $0x9000004A  }
0x59: {  	s0 =	sadd.s32 @!p0 $0x100000, s1;
	[bflag:$0x2] =	sbarrier.arrive $0xFFFF  }
0x5a: {  	[sflag:s0] =	ssyncadd.tile.s32 @!p0 $0x1;
	_ =	shalt  }
.Lfunc_end1:
_tile_overlayer_lowered:
.L_overlay_start_2:
0x5b: {  	(tag) =	ssettag $0x2  }
0x5c: {  	s0 =	rddreg [dreg:$0x0];
	s2 =	stileid.u32  }
0x5d: {  	s1 =	rddreg [dreg:$0x1];
	p0 =	sne.s32 s2, $0x0  }
0x5e: {  	s3 =	rddreg [dreg:$0x2];
	[bflag:$0x3] =	sbarrier.arrive $0xFFFF;
	s2 =	simm.s32 @!p0 $0x1C01  }
0x5f: {  	[timem:s3], [sflag:s2] =	dma.local @!p0 [hbm:s0], s1  }
0x60: {  	s0 =	simm.s32 @!p0 $0x1  }
0x61: {  	_ =	swait.ge @!p0 [sflag:s0], s1  }
0x62: {  	s1 =	ssub.s32 @!p0 $0x0, s1;
	[sflag:s0] =	ssyncset.done @!p0 $0x0  }
0x63: {  	[sflag:s0] =	ssyncadd.s32 @!p0 s1  }
0x64: {  	[bflag:$0x3] =	sbarrier.arrive $0xFFFF  }
0x65: {  	_ =	shalt  }

</sc_bundles>
